<compile_context>
chip_gen: v7x
topology: tpu7x:2x2x1
jax: 0.10.2.dev20260603
libtpu: 0.0.44.dev20260713+nightly
codegen_flags: <defaults>
</compile_context>

<pallas_src>
import functools

import jax
import jax.numpy as jnp
from jax import lax
from jax.experimental import pallas as pl
from jax.experimental.pallas import tpu as pltpu
from jax.experimental.pallas import tpu_sc as plsc

_B = 4
_N = 100000
_C = 80
_BLOCK_L = 12800
_SC_BATCH = 3
_NW = 32
_L = 16

_RG = 8
_CL = 1408
_N_ALIGNED = 99968
_NCHUNK_ROW = _N_ALIGNED // _CL
_RS = 80
_SC_NGROUPS = _RS // _RG
_TOTAL_CHUNKS = _SC_NGROUPS * _NCHUNK_ROW
_PER_W = (_TOTAL_CHUNKS + _NW - 1) // _NW
_PER_W2 = _PER_W + (_PER_W % 2)
_TAIL = _N - _N_ALIGNED


def _tc_block(pred_ref, target_ref, out_ref):
    x = pred_ref[...]
    t = target_ref[...]
    y = x - (t + t) * x
    a = jnp.abs(y)
    z = jnp.exp(-a)
    u = 1.0 + z
    r = 1.0 / u
    sg = jnp.where(y > 0.0, r, z * r)
    sp = jnp.maximum(y, 0.0) + jnp.log(u)
    alpha_t = 0.75 - 0.5 * t
    out_ref[...] = (alpha_t * sp) * (sg * sg)


def _focal16(x, t):
    t2 = t + t
    y = x - t2 * x
    a = jnp.abs(y)
    z = jnp.exp(-a)
    u = 1.0 + z
    r = 1.0 / u
    sg = jnp.where(y > 0.0, r, z * r)
    w = z / (1.0 + u)
    w2 = w * w
    p = 1.0 / 5.0
    p = p * w2 + 1.0 / 3.0
    p = p * w2 + 1.0
    lg = (w + w) * p
    sp = jnp.maximum(y, 0.0) + lg
    at = 0.75 - 0.25 * t2
    return (at * sp) * (sg * sg)


def _make_sc_part():
    mesh = plsc.VectorSubcoreMesh(core_axis_name="c", subcore_axis_name="s")

    @functools.partial(
        pl.kernel,
        out_type=jax.ShapeDtypeStruct((1, _RS, _N_ALIGNED), jnp.float32),
        mesh=mesh,
        scratch_types=[
            pltpu.VMEM((_RG, _CL), jnp.float32),
            pltpu.VMEM((_RG, _CL), jnp.float32),
            pltpu.VMEM((_RG, _CL), jnp.float32),
            pltpu.VMEM((_RG, _CL), jnp.float32),
            pltpu.VMEM((_RG, _CL), jnp.float32),
            pltpu.VMEM((_RG, _CL), jnp.float32),
            pltpu.SemaphoreType.DMA,
            pltpu.SemaphoreType.DMA,
            pltpu.SemaphoreType.DMA,
            pltpu.SemaphoreType.DMA,
        ],
    )
    def sc_focal(x_hbm, t_hbm, o_hbm,
                 xb0, tb0, ob0, xb1, tb1, ob1, sem0, sem1, so0, so1):
        wid = lax.axis_index("s") * 2 + lax.axis_index("c")
        bufs = ((xb0, tb0, ob0, sem0, so0), (xb1, tb1, ob1, sem1, so1))

        def src_slices(k):
            ci = wid * _PER_W2 + k
            row = (ci // _NCHUNK_ROW) * _RG
            col = (ci % _NCHUNK_ROW) * _CL
            return (
                ci,
                x_hbm.at[_SC_BATCH, pl.ds(row, _RG), pl.ds(col, _CL)],
                t_hbm.at[_SC_BATCH, pl.ds(row, _RG), pl.ds(col, _CL)],
                o_hbm.at[0, pl.ds(row, _RG), pl.ds(col, _CL)],
            )

        def issue(k, b):
            if isinstance(k, int) and k >= _PER_W2:
                return
            ci, xs, ts, _ = src_slices(k)
            xbuf, tbuf, _, sem, _ = bufs[b]

            @pl.when((k < _PER_W2) & (ci < _TOTAL_CHUNKS))
            def _():
                pltpu.async_copy(xs, xbuf, sem)
                pltpu.async_copy(ts, tbuf, sem)

        def consume(k, b):
            ci, xs, ts, os = src_slices(k)
            xbuf, tbuf, obuf, sem, osem = bufs[b]

            @pl.when(ci < _TOTAL_CHUNKS)
            def _():
                pltpu.make_async_copy(xs, xbuf, sem).wait()
                pltpu.make_async_copy(ts, tbuf, sem).wait()

                @pl.when(k >= 2)
                def _drain():
                    _, _, _, prev_os = src_slices(k - 2)
                    pltpu.make_async_copy(obuf, prev_os, osem).wait()

                def row_loop(r, carry):
                    @plsc.parallel_loop(0, _CL, step=_L, unroll=8)
                    def _inner(i):
                        obuf[r, pl.ds(i, _L)] = _focal16(
                            xbuf[r, pl.ds(i, _L)], tbuf[r, pl.ds(i, _L)])

                    return carry

                lax.fori_loop(0, _RG, row_loop, 0)
                pltpu.async_copy(obuf, os, osem)

        def drain_tail(k, b):
            ci, _, _, os = src_slices(k)
            _, _, obuf, _, osem = bufs[b]

            @pl.when(ci < _TOTAL_CHUNKS)
            def _():
                pltpu.make_async_copy(obuf, os, osem).wait()

        issue(0, 0)

        def outer(g, carry):
            k0 = g * 2
            issue(k0 + 1, 1)
            consume(k0, 0)
            issue(k0 + 2, 0)
            consume(k0 + 1, 1)
            return carry

        lax.fori_loop(0, _PER_W2 // 2, outer, 0)
        drain_tail(_PER_W2 - 2, 0)
        drain_tail(_PER_W2 - 1, 1)

    return sc_focal


def kernel(pred, target):
    pred_t = jnp.transpose(pred, (0, 2, 1))
    target_t = jnp.transpose(target, (0, 2, 1))

    sc_out = _make_sc_part()(pred_t, target_t)

    spec = pl.BlockSpec((1, _C, _BLOCK_L), lambda b, i: (b, 0, i))
    tc_full = pl.pallas_call(
        _tc_block,
        grid=(_SC_BATCH, pl.cdiv(_N, _BLOCK_L)),
        in_specs=[spec, spec],
        out_specs=spec,
        out_shape=jax.ShapeDtypeStruct((_B, _C, _N), jnp.float32),
    )(pred_t, target_t)

    if _RS < _C:
        rest_spec = pl.BlockSpec(
            (1, _RG, _BLOCK_L), lambda j, i: (_SC_BATCH, _RS // _RG + j, i))
        rest_out = pl.pallas_call(
            _tc_block,
            grid=((_C - _RS) // _RG, pl.cdiv(_N, _BLOCK_L)),
            in_specs=[rest_spec, rest_spec],
            out_specs=pl.BlockSpec((1, _RG, _BLOCK_L), lambda j, i: (0, j, i)),
            out_shape=jax.ShapeDtypeStruct((1, _C - _RS, _N), jnp.float32),
        )(pred_t, target_t)
    else:
        rest_out = None

    tail_spec = pl.BlockSpec((1, _RS, 128),
                             lambda i: (_SC_BATCH, 0, _N_ALIGNED // 128))
    tail_out = pl.pallas_call(
        _tc_block,
        grid=(1,),
        in_specs=[tail_spec, tail_spec],
        out_specs=pl.BlockSpec((1, _RS, 128), lambda i: (0, 0, 0)),
        out_shape=jax.ShapeDtypeStruct((1, _RS, 128), jnp.float32),
    )(pred_t, target_t)

    out_t = tc_full
    if rest_out is not None:
        out_t = lax.dynamic_update_slice(out_t, rest_out, (_SC_BATCH, _RS, 0))
    out_t = lax.dynamic_update_slice(out_t, tail_out[:, :, :_TAIL],
                                     (_SC_BATCH, 0, _N_ALIGNED))
    sc_out = lax.optimization_barrier(sc_out)
    out_t = lax.dynamic_update_slice(out_t, sc_out, (_SC_BATCH, 0, 0))
    return jnp.transpose(out_t, (0, 2, 1))

# --- scband reference (transcript-rebuilt; emitter-appended) ---
"""Pipeline reference for scband-focal-loss-36223754174868 (READ-ONLY COPY).

The authoritative reference and input builder live on the scoring server;
editing this copy changes nothing except your own understanding.
"""

import jax, jax.numpy as jnp
import numpy as np

ALPHA = 0.25
GAMMA = 2.0

def setup_inputs(seed: int = 0) -> dict:
    key = jax.random.key(seed)
    k1, k2 = jax.random.split(key)
    pred = jax.random.normal(k1, (4, 100000, 80), dtype=jnp.float32)
    # sparse binary targets (~1% positives), as produced by anchor matching
    u = jax.random.uniform(k2, (4, 100000, 80), dtype=jnp.float32)
    target = jnp.where(u < 0.01, 1.0, 0.0).astype(jnp.float32)
    return {"pred": pred, "target": target}

def reference(pred, target):
    # Elementwise focal loss (RetinaNet), alpha=0.25, gamma=2, no reduction.
    p = jax.nn.sigmoid(pred)
    # numerically-stable binary cross entropy with logits
    ce = jnp.maximum(pred, 0.0) - pred * target + jnp.log1p(jnp.exp(-jnp.abs(pred)))
    alpha_t = target * ALPHA + (1.0 - target) * (1.0 - ALPHA)
    pt = jnp.where(target == 1.0, p, 1.0 - p)
    return alpha_t * (1.0 - pt) ** GAMMA * ce

if __name__ == "__main__":
    import jax
    _d = setup_inputs()
    print(jax.jit(kernel)(*tuple(_d.values())))

</pallas_src>

<mosaic_0001>
#map = affine_map<(d0, d1) -> (0, 0, 0)>
module attributes {stable_mosaic.version = 14 : i64} {
  func.func @sc_focal(%arg0: i32, %arg1: i32, %arg2: memref<4x80x100000xf32, #tpu.memory_space<hbm>>, %arg3: memref<4x80x100000xf32, #tpu.memory_space<hbm>>, %arg4: memref<1x80x99968xf32, #tpu.memory_space<hbm>>, %arg5: memref<8x1408xf32, #tpu.memory_space<vmem>>, %arg6: memref<8x1408xf32, #tpu.memory_space<vmem>>, %arg7: memref<8x1408xf32, #tpu.memory_space<vmem>>, %arg8: memref<8x1408xf32, #tpu.memory_space<vmem>>, %arg9: memref<8x1408xf32, #tpu.memory_space<vmem>>, %arg10: memref<8x1408xf32, #tpu.memory_space<vmem>>, %arg11: memref<!tpu.dma_semaphore, #tpu.memory_space<semaphore_mem>>, %arg12: memref<!tpu.dma_semaphore, #tpu.memory_space<semaphore_mem>>, %arg13: memref<!tpu.dma_semaphore, #tpu.memory_space<semaphore_mem>>, %arg14: memref<!tpu.dma_semaphore, #tpu.memory_space<semaphore_mem>>) attributes {dimension_semantics = [#tpu.dimension_semantics<core_parallel>, #tpu.dimension_semantics<subcore_parallel>], iteration_bounds = array<i64: 2, 16>, scalar_prefetch = 0 : i64, scratch_operands = 10 : i64, tpu.core_type = #tpu.core_type<sc_vector_subcore>, window_params = [{transform_indices = #map}, {transform_indices = #map}, {transform_indices = #map}]} {
    %mul3A = arith.constant 2 : i32
    %mul3A_0 = arith.muli %arg1, %mul3A : i32
    %add3A = arith.addi %mul3A_0, %arg0 : i32
    %mul3A_1 = arith.constant 24 : i32
    %mul3A_2 = arith.muli %add3A, %mul3A_1 : i32
    %add3A_3 = arith.constant 0 : i32
    %add3A_4 = arith.addi %mul3A_2, %add3A_3 : i32
    %jit3A = arith.constant 71 : i32
    %div3A = arith.divsi %add3A_4, %jit3A : i32
    %sign3A = arith.constant 0 : i32
    %sign3A_5 = arith.cmpi sgt, %add3A_4, %sign3A : i32
    %sign3A_6 = arith.extui %sign3A_5 : i1 to i32
    %sign3A_7 = arith.constant 0 : i32
    %sign3A_8 = arith.cmpi slt, %add3A_4, %sign3A_7 : i32
    %sign3A_9 = arith.extui %sign3A_8 : i1 to i32
    %sign3A_10 = arith.subi %sign3A_6, %sign3A_9 : i32
    %sign3A_11 = arith.constant 0 : i32
    %sign3A_12 = arith.cmpi sgt, %jit3A, %sign3A_11 : i32
    %sign3A_13 = arith.extui %sign3A_12 : i1 to i32
    %sign3A_14 = arith.constant 0 : i32
    %sign3A_15 = arith.cmpi slt, %jit3A, %sign3A_14 : i32
    %sign3A_16 = arith.extui %sign3A_15 : i1 to i32
    %sign3A_17 = arith.subi %sign3A_13, %sign3A_16 : i32
    %ne3A = arith.cmpi ne, %sign3A_10, %sign3A_17 : i32
    %rem3A = arith.remsi %add3A_4, %jit3A : i32
    %ne3A_18 = arith.constant 0 : i32
    %ne3A_19 = arith.cmpi ne, %rem3A, %ne3A_18 : i32
    %and3A = arith.andi %ne3A, %ne3A_19 : i1
    %sub3A = arith.constant 1 : i32
    %sub3A_20 = arith.subi %div3A, %sub3A : i32
    %select_n3A = arith.select %and3A, %sub3A_20, %div3A : i32
    %mul3A_21 = arith.constant 8 : i32
    %mul3A_22 = arith.muli %select_n3A, %mul3A_21 : i32
    %jit3A_23 = arith.constant 71 : i32
    %eq3A = arith.constant 0 : i32
    %eq3A_24 = arith.cmpi eq, %jit3A_23, %eq3A : i32
    %jit3A_25 = arith.constant 1 : i32
    %select_n3A_26 = arith.select %eq3A_24, %jit3A_25, %jit3A_23 : i32
    %rem3A_27 = arith.remsi %add3A_4, %select_n3A_26 : i32
    %ne3A_28 = arith.constant 0 : i32
    %ne3A_29 = arith.cmpi ne, %rem3A_27, %ne3A_28 : i32
    %lt3A = arith.constant 0 : i32
    %lt3A_30 = arith.cmpi slt, %rem3A_27, %lt3A : i32
    %lt3A_31 = arith.constant 0 : i32
    %lt3A_32 = arith.cmpi slt, %select_n3A_26, %lt3A_31 : i32
    %ne3A_33 = arith.xori %lt3A_30, %lt3A_32 : i1
    %and3A_34 = arith.andi %ne3A_33, %ne3A_29 : i1
    %add3A_35 = arith.addi %rem3A_27, %select_n3A_26 : i32
    %select_n3A_36 = arith.select %and3A_34, %add3A_35, %rem3A_27 : i32
    %mul3A_37 = arith.constant 1408 : i32
    %mul3A_38 = arith.muli %select_n3A_36, %mul3A_37 : i32
    %lt3A_39 = arith.constant 710 : i32
    %lt3A_40 = arith.cmpi slt, %add3A_4, %lt3A_39 : i32
    %and3A_41 = arith.constant true
    %and3A_42 = arith.andi %and3A_41, %lt3A_40 : i1
    %convert_element_type3A = arith.extui %and3A_42 : i1 to i32
    %cond3A = arith.constant 3 : i32
    %cond3A_43 = arith.constant 3 : i32
    %cond3A_44 = arith.constant 0 : i32
    %cond3A_45 = arith.cmpi ne, %convert_element_type3A, %cond3A_44 : i32
    scf.if %cond3A_45 {
      %dma_start3A = tpu.memref_slice %arg2[%cond3A, %mul3A_22, %mul3A_38] : memref<4x80x100000xf32, #tpu.memory_space<hbm>> -> memref<1x8x1408xf32, #tpu.memory_space<hbm>>
      %dma_start3A_159 = tpu.memref_squeeze %dma_start3A : memref<1x8x1408xf32, #tpu.memory_space<hbm>> -> memref<8x1408xf32, #tpu.memory_space<hbm>>
      %dma_start3A_160 = tpu.memref_slice %arg2[%cond3A, %mul3A_22, %mul3A_38] : memref<4x80x100000xf32, #tpu.memory_space<hbm>> -> memref<1x8x1408xf32, #tpu.memory_space<hbm>>
      %dma_start3A_161 = tpu.memref_squeeze %dma_start3A_160 : memref<1x8x1408xf32, #tpu.memory_space<hbm>> -> memref<8x1408xf32, #tpu.memory_space<hbm>>
      tpu.enqueue_dma source(%dma_start3A_161 : memref<8x1408xf32, #tpu.memory_space<hbm>>) target(%arg5 : memref<8x1408xf32, #tpu.memory_space<vmem>>) target_semaphore(%arg11 : memref<!tpu.dma_semaphore, #tpu.memory_space<semaphore_mem>>)
      %dma_start3A_162 = tpu.memref_slice %arg3[%cond3A_43, %mul3A_22, %mul3A_38] : memref<4x80x100000xf32, #tpu.memory_space<hbm>> -> memref<1x8x1408xf32, #tpu.memory_space<hbm>>
      %dma_start3A_163 = tpu.memref_squeeze %dma_start3A_162 : memref<1x8x1408xf32, #tpu.memory_space<hbm>> -> memref<8x1408xf32, #tpu.memory_space<hbm>>
      %dma_start3A_164 = tpu.memref_slice %arg3[%cond3A_43, %mul3A_22, %mul3A_38] : memref<4x80x100000xf32, #tpu.memory_space<hbm>> -> memref<1x8x1408xf32, #tpu.memory_space<hbm>>
      %dma_start3A_165 = tpu.memref_squeeze %dma_start3A_164 : memref<1x8x1408xf32, #tpu.memory_space<hbm>> -> memref<8x1408xf32, #tpu.memory_space<hbm>>
      tpu.enqueue_dma source(%dma_start3A_165 : memref<8x1408xf32, #tpu.memory_space<hbm>>) target(%arg6 : memref<8x1408xf32, #tpu.memory_space<vmem>>) target_semaphore(%arg11 : memref<!tpu.dma_semaphore, #tpu.memory_space<semaphore_mem>>)
    } else {
    }
    %scan3A = arith.constant 0 : i32
    %scan3A_46 = arith.constant 0 : i32
    %scan3A_47 = arith.constant 12 : i32
    %scan3A_48 = arith.addi %scan3A_46, %scan3A_47 : i32
    %scan3A_49 = arith.constant 1 : i32
    scf.for %scan3A_159 = %scan3A_46 to %scan3A_48 step %scan3A_49  : i32 {
      %mul3A_160 = arith.constant 2 : i32
      %mul3A_161 = arith.muli %scan3A_159, %mul3A_160 : i32
      %add3A_162 = arith.constant 1 : i32
      %add3A_163 = arith.addi %mul3A_161, %add3A_162 : i32
      %mul3A_164 = arith.constant 24 : i32
      %mul3A_165 = arith.muli %add3A, %mul3A_164 : i32
      %add3A_166 = arith.addi %mul3A_165, %add3A_163 : i32
      %jit3A_167 = arith.constant 71 : i32
      %div3A_168 = arith.divsi %add3A_166, %jit3A_167 : i32
      %sign3A_169 = arith.constant 0 : i32
      %sign3A_170 = arith.cmpi sgt, %add3A_166, %sign3A_169 : i32
      %sign3A_171 = arith.extui %sign3A_170 : i1 to i32
      %sign3A_172 = arith.constant 0 : i32
      %sign3A_173 = arith.cmpi slt, %add3A_166, %sign3A_172 : i32
      %sign3A_174 = arith.extui %sign3A_173 : i1 to i32
      %sign3A_175 = arith.subi %sign3A_171, %sign3A_174 : i32
      %sign3A_176 = arith.constant 0 : i32
      %sign3A_177 = arith.cmpi sgt, %jit3A_167, %sign3A_176 : i32
      %sign3A_178 = arith.extui %sign3A_177 : i1 to i32
      %sign3A_179 = arith.constant 0 : i32
      %sign3A_180 = arith.cmpi slt, %jit3A_167, %sign3A_179 : i32
      %sign3A_181 = arith.extui %sign3A_180 : i1 to i32
      %sign3A_182 = arith.subi %sign3A_178, %sign3A_181 : i32
      %ne3A_183 = arith.cmpi ne, %sign3A_175, %sign3A_182 : i32
      %rem3A_184 = arith.remsi %add3A_166, %jit3A_167 : i32
      %ne3A_185 = arith.constant 0 : i32
      %ne3A_186 = arith.cmpi ne, %rem3A_184, %ne3A_185 : i32
      %and3A_187 = arith.andi %ne3A_183, %ne3A_186 : i1
      %sub3A_188 = arith.constant 1 : i32
      %sub3A_189 = arith.subi %div3A_168, %sub3A_188 : i32
      %select_n3A_190 = arith.select %and3A_187, %sub3A_189, %div3A_168 : i32
      %mul3A_191 = arith.constant 8 : i32
      %mul3A_192 = arith.muli %select_n3A_190, %mul3A_191 : i32
      %jit3A_193 = arith.constant 71 : i32
      %eq3A_194 = arith.constant 0 : i32
      %eq3A_195 = arith.cmpi eq, %jit3A_193, %eq3A_194 : i32
      %jit3A_196 = arith.constant 1 : i32
      %select_n3A_197 = arith.select %eq3A_195, %jit3A_196, %jit3A_193 : i32
      %rem3A_198 = arith.remsi %add3A_166, %select_n3A_197 : i32
      %ne3A_199 = arith.constant 0 : i32
      %ne3A_200 = arith.cmpi ne, %rem3A_198, %ne3A_199 : i32
      %lt3A_201 = arith.constant 0 : i32
      %lt3A_202 = arith.cmpi slt, %rem3A_198, %lt3A_201 : i32
      %lt3A_203 = arith.constant 0 : i32
      %lt3A_204 = arith.cmpi slt, %select_n3A_197, %lt3A_203 : i32
      %ne3A_205 = arith.xori %lt3A_202, %lt3A_204 : i1
      %and3A_206 = arith.andi %ne3A_205, %ne3A_200 : i1
      %add3A_207 = arith.addi %rem3A_198, %select_n3A_197 : i32
      %select_n3A_208 = arith.select %and3A_206, %add3A_207, %rem3A_198 : i32
      %mul3A_209 = arith.constant 1408 : i32
      %mul3A_210 = arith.muli %select_n3A_208, %mul3A_209 : i32
      %lt3A_211 = arith.constant 24 : i32
      %lt3A_212 = arith.cmpi slt, %add3A_163, %lt3A_211 : i32
      %lt3A_213 = arith.constant 710 : i32
      %lt3A_214 = arith.cmpi slt, %add3A_166, %lt3A_213 : i32
      %and3A_215 = arith.andi %lt3A_212, %lt3A_214 : i1
      %convert_element_type3A_216 = arith.extui %and3A_215 : i1 to i32
      %cond3A_217 = arith.constant 3 : i32
      %cond3A_218 = arith.constant 3 : i32
      %cond3A_219 = arith.constant 0 : i32
      %cond3A_220 = arith.cmpi ne, %convert_element_type3A_216, %cond3A_219 : i32
      scf.if %cond3A_220 {
        %dma_start3A = tpu.memref_slice %arg2[%cond3A_217, %mul3A_192, %mul3A_210] : memref<4x80x100000xf32, #tpu.memory_space<hbm>> -> memref<1x8x1408xf32, #tpu.memory_space<hbm>>
        %dma_start3A_392 = tpu.memref_squeeze %dma_start3A : memref<1x8x1408xf32, #tpu.memory_space<hbm>> -> memref<8x1408xf32, #tpu.memory_space<hbm>>
        %dma_start3A_393 = tpu.memref_slice %arg2[%cond3A_217, %mul3A_192, %mul3A_210] : memref<4x80x100000xf32, #tpu.memory_space<hbm>> -> memref<1x8x1408xf32, #tpu.memory_space<hbm>>
        %dma_start3A_394 = tpu.memref_squeeze %dma_start3A_393 : memref<1x8x1408xf32, #tpu.memory_space<hbm>> -> memref<8x1408xf32, #tpu.memory_space<hbm>>
        tpu.enqueue_dma source(%dma_start3A_394 : memref<8x1408xf32, #tpu.memory_space<hbm>>) target(%arg8 : memref<8x1408xf32, #tpu.memory_space<vmem>>) target_semaphore(%arg12 : memref<!tpu.dma_semaphore, #tpu.memory_space<semaphore_mem>>)
        %dma_start3A_395 = tpu.memref_slice %arg3[%cond3A_218, %mul3A_192, %mul3A_210] : memref<4x80x100000xf32, #tpu.memory_space<hbm>> -> memref<1x8x1408xf32, #tpu.memory_space<hbm>>
        %dma_start3A_396 = tpu.memref_squeeze %dma_start3A_395 : memref<1x8x1408xf32, #tpu.memory_space<hbm>> -> memref<8x1408xf32, #tpu.memory_space<hbm>>
        %dma_start3A_397 = tpu.memref_slice %arg3[%cond3A_218, %mul3A_192, %mul3A_210] : memref<4x80x100000xf32, #tpu.memory_space<hbm>> -> memref<1x8x1408xf32, #tpu.memory_space<hbm>>
        %dma_start3A_398 = tpu.memref_squeeze %dma_start3A_397 : memref<1x8x1408xf32, #tpu.memory_space<hbm>> -> memref<8x1408xf32, #tpu.memory_space<hbm>>
        tpu.enqueue_dma source(%dma_start3A_398 : memref<8x1408xf32, #tpu.memory_space<hbm>>) target(%arg9 : memref<8x1408xf32, #tpu.memory_space<vmem>>) target_semaphore(%arg12 : memref<!tpu.dma_semaphore, #tpu.memory_space<semaphore_mem>>)
      } else {
      }
      %mul3A_221 = arith.constant 24 : i32
      %mul3A_222 = arith.muli %add3A, %mul3A_221 : i32
      %add3A_223 = arith.addi %mul3A_222, %mul3A_161 : i32
      %jit3A_224 = arith.constant 71 : i32
      %div3A_225 = arith.divsi %add3A_223, %jit3A_224 : i32
      %sign3A_226 = arith.constant 0 : i32
      %sign3A_227 = arith.cmpi sgt, %add3A_223, %sign3A_226 : i32
      %sign3A_228 = arith.extui %sign3A_227 : i1 to i32
      %sign3A_229 = arith.constant 0 : i32
      %sign3A_230 = arith.cmpi slt, %add3A_223, %sign3A_229 : i32
      %sign3A_231 = arith.extui %sign3A_230 : i1 to i32
      %sign3A_232 = arith.subi %sign3A_228, %sign3A_231 : i32
      %sign3A_233 = arith.constant 0 : i32
      %sign3A_234 = arith.cmpi sgt, %jit3A_224, %sign3A_233 : i32
      %sign3A_235 = arith.extui %sign3A_234 : i1 to i32
      %sign3A_236 = arith.constant 0 : i32
      %sign3A_237 = arith.cmpi slt, %jit3A_224, %sign3A_236 : i32
      %sign3A_238 = arith.extui %sign3A_237 : i1 to i32
      %sign3A_239 = arith.subi %sign3A_235, %sign3A_238 : i32
      %ne3A_240 = arith.cmpi ne, %sign3A_232, %sign3A_239 : i32
      %rem3A_241 = arith.remsi %add3A_223, %jit3A_224 : i32
      %ne3A_242 = arith.constant 0 : i32
      %ne3A_243 = arith.cmpi ne, %rem3A_241, %ne3A_242 : i32
      %and3A_244 = arith.andi %ne3A_240, %ne3A_243 : i1
      %sub3A_245 = arith.constant 1 : i32
      %sub3A_246 = arith.subi %div3A_225, %sub3A_245 : i32
      %select_n3A_247 = arith.select %and3A_244, %sub3A_246, %div3A_225 : i32
      %mul3A_248 = arith.constant 8 : i32
      %mul3A_249 = arith.muli %select_n3A_247, %mul3A_248 : i32
      %jit3A_250 = arith.constant 71 : i32
      %eq3A_251 = arith.constant 0 : i32
      %eq3A_252 = arith.cmpi eq, %jit3A_250, %eq3A_251 : i32
      %jit3A_253 = arith.constant 1 : i32
      %select_n3A_254 = arith.select %eq3A_252, %jit3A_253, %jit3A_250 : i32
      %rem3A_255 = arith.remsi %add3A_223, %select_n3A_254 : i32
      %ne3A_256 = arith.constant 0 : i32
      %ne3A_257 = arith.cmpi ne, %rem3A_255, %ne3A_256 : i32
      %lt3A_258 = arith.constant 0 : i32
      %lt3A_259 = arith.cmpi slt, %rem3A_255, %lt3A_258 : i32
      %lt3A_260 = arith.constant 0 : i32
      %lt3A_261 = arith.cmpi slt, %select_n3A_254, %lt3A_260 : i32
      %ne3A_262 = arith.xori %lt3A_259, %lt3A_261 : i1
      %and3A_263 = arith.andi %ne3A_262, %ne3A_257 : i1
      %add3A_264 = arith.addi %rem3A_255, %select_n3A_254 : i32
      %select_n3A_265 = arith.select %and3A_263, %add3A_264, %rem3A_255 : i32
      %mul3A_266 = arith.constant 1408 : i32
      %mul3A_267 = arith.muli %select_n3A_265, %mul3A_266 : i32
      %lt3A_268 = arith.constant 710 : i32
      %lt3A_269 = arith.cmpi slt, %add3A_223, %lt3A_268 : i32
      %convert_element_type3A_270 = arith.extui %lt3A_269 : i1 to i32
      %cond3A_271 = arith.constant 3 : i32
      %cond3A_272 = arith.constant 3 : i32
      %cond3A_273 = arith.constant 0 : i32
      %cond3A_274 = arith.constant 0 : i32
      %cond3A_275 = arith.cmpi ne, %convert_element_type3A_270, %cond3A_274 : i32
      scf.if %cond3A_275 {
        %dma_wait3A = tpu.memref_slice %arg2[%cond3A_271, %mul3A_249, %mul3A_267] : memref<4x80x100000xf32, #tpu.memory_space<hbm>> -> memref<1x8x1408xf32, #tpu.memory_space<hbm>>
        %dma_wait3A_392 = tpu.memref_squeeze %dma_wait3A : memref<1x8x1408xf32, #tpu.memory_space<hbm>> -> memref<8x1408xf32, #tpu.memory_space<hbm>>
        %dma_wait3A_393 = tpu.memref_slice %arg2[%cond3A_271, %mul3A_249, %mul3A_267] : memref<4x80x100000xf32, #tpu.memory_space<hbm>> -> memref<1x8x1408xf32, #tpu.memory_space<hbm>>
        %dma_wait3A_394 = tpu.memref_squeeze %dma_wait3A_393 : memref<1x8x1408xf32, #tpu.memory_space<hbm>> -> memref<8x1408xf32, #tpu.memory_space<hbm>>
        tpu.wait_dma2 semaphore(%arg11 : memref<!tpu.dma_semaphore, #tpu.memory_space<semaphore_mem>>) src(%dma_wait3A_394 : memref<8x1408xf32, #tpu.memory_space<hbm>>) dst(%arg5 : memref<8x1408xf32, #tpu.memory_space<vmem>>)
        %dma_wait3A_395 = tpu.memref_slice %arg3[%cond3A_272, %mul3A_249, %mul3A_267] : memref<4x80x100000xf32, #tpu.memory_space<hbm>> -> memref<1x8x1408xf32, #tpu.memory_space<hbm>>
        %dma_wait3A_396 = tpu.memref_squeeze %dma_wait3A_395 : memref<1x8x1408xf32, #tpu.memory_space<hbm>> -> memref<8x1408xf32, #tpu.memory_space<hbm>>
        %dma_wait3A_397 = tpu.memref_slice %arg3[%cond3A_272, %mul3A_249, %mul3A_267] : memref<4x80x100000xf32, #tpu.memory_space<hbm>> -> memref<1x8x1408xf32, #tpu.memory_space<hbm>>
        %dma_wait3A_398 = tpu.memref_squeeze %dma_wait3A_397 : memref<1x8x1408xf32, #tpu.memory_space<hbm>> -> memref<8x1408xf32, #tpu.memory_space<hbm>>
        tpu.wait_dma2 semaphore(%arg11 : memref<!tpu.dma_semaphore, #tpu.memory_space<semaphore_mem>>) src(%dma_wait3A_398 : memref<8x1408xf32, #tpu.memory_space<hbm>>) dst(%arg6 : memref<8x1408xf32, #tpu.memory_space<vmem>>)
        %ge3A = arith.constant 2 : i32
        %ge3A_399 = arith.cmpi sge, %mul3A_161, %ge3A : i32
        %convert_element_type3A_400 = arith.extui %ge3A_399 : i1 to i32
        %cond3A_401 = arith.constant 0 : i32
        %cond3A_402 = arith.cmpi ne, %convert_element_type3A_400, %cond3A_401 : i32
        scf.if %cond3A_402 {
          %sub3A_412 = arith.constant 2 : i32
          %sub3A_413 = arith.subi %mul3A_161, %sub3A_412 : i32
          %mul3A_414 = arith.constant 24 : i32
          %mul3A_415 = arith.muli %add3A, %mul3A_414 : i32
          %add3A_416 = arith.addi %mul3A_415, %sub3A_413 : i32
          %jit3A_417 = arith.constant 71 : i32
          %div3A_418 = arith.divsi %add3A_416, %jit3A_417 : i32
          %sign3A_419 = arith.constant 0 : i32
          %sign3A_420 = arith.cmpi sgt, %add3A_416, %sign3A_419 : i32
          %sign3A_421 = arith.extui %sign3A_420 : i1 to i32
          %sign3A_422 = arith.constant 0 : i32
          %sign3A_423 = arith.cmpi slt, %add3A_416, %sign3A_422 : i32
          %sign3A_424 = arith.extui %sign3A_423 : i1 to i32
          %sign3A_425 = arith.subi %sign3A_421, %sign3A_424 : i32
          %sign3A_426 = arith.constant 0 : i32
          %sign3A_427 = arith.cmpi sgt, %jit3A_417, %sign3A_426 : i32
          %sign3A_428 = arith.extui %sign3A_427 : i1 to i32
          %sign3A_429 = arith.constant 0 : i32
          %sign3A_430 = arith.cmpi slt, %jit3A_417, %sign3A_429 : i32
          %sign3A_431 = arith.extui %sign3A_430 : i1 to i32
          %sign3A_432 = arith.subi %sign3A_428, %sign3A_431 : i32
          %ne3A_433 = arith.cmpi ne, %sign3A_425, %sign3A_432 : i32
          %rem3A_434 = arith.remsi %add3A_416, %jit3A_417 : i32
          %ne3A_435 = arith.constant 0 : i32
          %ne3A_436 = arith.cmpi ne, %rem3A_434, %ne3A_435 : i32
          %and3A_437 = arith.andi %ne3A_433, %ne3A_436 : i1
          %sub3A_438 = arith.constant 1 : i32
          %sub3A_439 = arith.subi %div3A_418, %sub3A_438 : i32
          %select_n3A_440 = arith.select %and3A_437, %sub3A_439, %div3A_418 : i32
          %mul3A_441 = arith.constant 8 : i32
          %mul3A_442 = arith.muli %select_n3A_440, %mul3A_441 : i32
          %jit3A_443 = arith.constant 71 : i32
          %eq3A_444 = arith.constant 0 : i32
          %eq3A_445 = arith.cmpi eq, %jit3A_443, %eq3A_444 : i32
          %jit3A_446 = arith.constant 1 : i32
          %select_n3A_447 = arith.select %eq3A_445, %jit3A_446, %jit3A_443 : i32
          %rem3A_448 = arith.remsi %add3A_416, %select_n3A_447 : i32
          %ne3A_449 = arith.constant 0 : i32
          %ne3A_450 = arith.cmpi ne, %rem3A_448, %ne3A_449 : i32
          %lt3A_451 = arith.constant 0 : i32
          %lt3A_452 = arith.cmpi slt, %rem3A_448, %lt3A_451 : i32
          %lt3A_453 = arith.constant 0 : i32
          %lt3A_454 = arith.cmpi slt, %select_n3A_447, %lt3A_453 : i32
          %ne3A_455 = arith.xori %lt3A_452, %lt3A_454 : i1
          %and3A_456 = arith.andi %ne3A_455, %ne3A_450 : i1
          %add3A_457 = arith.addi %rem3A_448, %select_n3A_447 : i32
          %select_n3A_458 = arith.select %and3A_456, %add3A_457, %rem3A_448 : i32
          %mul3A_459 = arith.constant 1408 : i32
          %mul3A_460 = arith.muli %select_n3A_458, %mul3A_459 : i32
          %dma_wait3A_461 = arith.constant 0 : i32
          %dma_wait3A_462 = tpu.memref_slice %arg4[%dma_wait3A_461, %mul3A_442, %mul3A_460] : memref<1x80x99968xf32, #tpu.memory_space<hbm>> -> memref<1x8x1408xf32, #tpu.memory_space<hbm>>
          %dma_wait3A_463 = tpu.memref_squeeze %dma_wait3A_462 : memref<1x8x1408xf32, #tpu.memory_space<hbm>> -> memref<8x1408xf32, #tpu.memory_space<hbm>>
          %dma_wait3A_464 = tpu.memref_slice %arg4[%dma_wait3A_461, %mul3A_442, %mul3A_460] : memref<1x80x99968xf32, #tpu.memory_space<hbm>> -> memref<1x8x1408xf32, #tpu.memory_space<hbm>>
          %dma_wait3A_465 = tpu.memref_squeeze %dma_wait3A_464 : memref<1x8x1408xf32, #tpu.memory_space<hbm>> -> memref<8x1408xf32, #tpu.memory_space<hbm>>
          tpu.wait_dma2 semaphore(%arg13 : memref<!tpu.dma_semaphore, #tpu.memory_space<semaphore_mem>>) src(%arg7 : memref<8x1408xf32, #tpu.memory_space<vmem>>) dst(%dma_wait3A_465 : memref<8x1408xf32, #tpu.memory_space<hbm>>)
        } else {
        }
        %scan3A_403 = arith.constant 0 : i32
        %scan3A_404 = arith.constant 0 : i32
        %scan3A_405 = arith.constant 8 : i32
        %scan3A_406 = arith.addi %scan3A_404, %scan3A_405 : i32
        %scan3A_407 = arith.constant 1 : i32
        scf.for %scan3A_412 = %scan3A_404 to %scan3A_406 step %scan3A_407  : i32 {
          %parallel_loop3A = arith.constant 0 : i32
          %parallel_loop3A_413 = arith.constant 1408 : i32
          %parallel_loop3A_414 = arith.constant 16 : i32
          scf.for %parallel_loop3A_415 = %parallel_loop3A to %parallel_loop3A_413 step %parallel_loop3A_414  : i32 {
            %parallel_loop3A_416 = arith.index_cast %scan3A_412 : i32 to index
            %parallel_loop3A_417 = arith.index_cast %parallel_loop3A_415 : i32 to index
            %parallel_loop3A_418 = tpu.vector_load %arg5[%parallel_loop3A_416, %parallel_loop3A_417] {strides = array<i32>} : memref<8x1408xf32, #tpu.memory_space<vmem>>, vector<1x16xf32>,
            %parallel_loop3A_419 = vector.shape_cast %parallel_loop3A_418 : vector<1x16xf32> to vector<16xf32>
            %parallel_loop3A_420 = arith.index_cast %scan3A_412 : i32 to index
            %parallel_loop3A_421 = arith.index_cast %parallel_loop3A_415 : i32 to index
            %parallel_loop3A_422 = tpu.vector_load %arg6[%parallel_loop3A_420, %parallel_loop3A_421] {strides = array<i32>} : memref<8x1408xf32, #tpu.memory_space<vmem>>, vector<1x16xf32>,
            %parallel_loop3A_423 = vector.shape_cast %parallel_loop3A_422 : vector<1x16xf32> to vector<16xf32>
            %parallel_loop3A_424 = arith.addf %parallel_loop3A_423, %parallel_loop3A_423 : vector<16xf32>
            %parallel_loop3A_425 = arith.mulf %parallel_loop3A_424, %parallel_loop3A_419 : vector<16xf32>
            %parallel_loop3A_426 = arith.subf %parallel_loop3A_419, %parallel_loop3A_425 : vector<16xf32>
            %parallel_loop3A_427 = math.absf %parallel_loop3A_426 : vector<16xf32>
            %parallel_loop3A_428 = arith.constant 0.000000e+00 : f32
            %parallel_loop3A_429 = vector.broadcast %parallel_loop3A_428 : f32 to vector<16xf32>
            %parallel_loop3A_430 = arith.subf %parallel_loop3A_429, %parallel_loop3A_427 : vector<16xf32>
            %parallel_loop3A_431 = math.exp %parallel_loop3A_430 : vector<16xf32>
            %parallel_loop3A_432 = arith.constant 1.000000e+00 : f32
            %parallel_loop3A_433 = vector.broadcast %parallel_loop3A_432 : f32 to vector<16xf32>
            %parallel_loop3A_434 = arith.addf %parallel_loop3A_433, %parallel_loop3A_431 : vector<16xf32>
            %parallel_loop3A_435 = arith.constant 1.000000e+00 : f32
            %parallel_loop3A_436 = vector.broadcast %parallel_loop3A_435 : f32 to vector<16xf32>
            %parallel_loop3A_437 = arith.divf %parallel_loop3A_436, %parallel_loop3A_434 : vector<16xf32>
            %parallel_loop3A_438 = arith.constant 0.000000e+00 : f32
            %parallel_loop3A_439 = vector.broadcast %parallel_loop3A_438 : f32 to vector<16xf32>
            %parallel_loop3A_440 = arith.cmpf ogt, %parallel_loop3A_426, %parallel_loop3A_439 : vector<16xf32>
            %parallel_loop3A_441 = arith.mulf %parallel_loop3A_431, %parallel_loop3A_437 : vector<16xf32>
            %parallel_loop3A_442 = arith.select %parallel_loop3A_440, %parallel_loop3A_437, %parallel_loop3A_441 : vector<16xi1>, vector<16xf32>
            %parallel_loop3A_443 = arith.constant 1.000000e+00 : f32
            %parallel_loop3A_444 = vector.broadcast %parallel_loop3A_443 : f32 to vector<16xf32>
            %parallel_loop3A_445 = arith.addf %parallel_loop3A_444, %parallel_loop3A_434 : vector<16xf32>
            %parallel_loop3A_446 = arith.divf %parallel_loop3A_431, %parallel_loop3A_445 : vector<16xf32>
            %parallel_loop3A_447 = arith.mulf %parallel_loop3A_446, %parallel_loop3A_446 : vector<16xf32>
            %parallel_loop3A_448 = arith.constant 2.000000e-01 : f32
            %parallel_loop3A_449 = vector.broadcast %parallel_loop3A_448 : f32 to vector<16xf32>
            %parallel_loop3A_450 = arith.mulf %parallel_loop3A_449, %parallel_loop3A_447 : vector<16xf32>
            %parallel_loop3A_451 = arith.constant 0.333333343 : f32
            %parallel_loop3A_452 = vector.broadcast %parallel_loop3A_451 : f32 to vector<16xf32>
            %parallel_loop3A_453 = arith.addf %parallel_loop3A_450, %parallel_loop3A_452 : vector<16xf32>
            %parallel_loop3A_454 = arith.mulf %parallel_loop3A_453, %parallel_loop3A_447 : vector<16xf32>
            %parallel_loop3A_455 = arith.constant 1.000000e+00 : f32
            %parallel_loop3A_456 = vector.broadcast %parallel_loop3A_455 : f32 to vector<16xf32>
            %parallel_loop3A_457 = arith.addf %parallel_loop3A_454, %parallel_loop3A_456 : vector<16xf32>
            %parallel_loop3A_458 = arith.addf %parallel_loop3A_446, %parallel_loop3A_446 : vector<16xf32>
            %parallel_loop3A_459 = arith.mulf %parallel_loop3A_458, %parallel_loop3A_457 : vector<16xf32>
            %parallel_loop3A_460 = arith.constant 0.000000e+00 : f32
            %parallel_loop3A_461 = vector.broadcast %parallel_loop3A_460 : f32 to vector<16xf32>
            %parallel_loop3A_462 = arith.maximumf %parallel_loop3A_426, %parallel_loop3A_461 : vector<16xf32>
            %parallel_loop3A_463 = arith.addf %parallel_loop3A_462, %parallel_loop3A_459 : vector<16xf32>
            %parallel_loop3A_464 = arith.constant 2.500000e-01 : f32
            %parallel_loop3A_465 = vector.broadcast %parallel_loop3A_464 : f32 to vector<16xf32>
            %parallel_loop3A_466 = arith.mulf %parallel_loop3A_465, %parallel_loop3A_424 : vector<16xf32>
            %parallel_loop3A_467 = arith.constant 7.500000e-01 : f32
            %parallel_loop3A_468 = vector.broadcast %parallel_loop3A_467 : f32 to vector<16xf32>
            %parallel_loop3A_469 = arith.subf %parallel_loop3A_468, %parallel_loop3A_466 : vector<16xf32>
            %parallel_loop3A_470 = arith.mulf %parallel_loop3A_469, %parallel_loop3A_463 : vector<16xf32>
            %parallel_loop3A_471 = arith.mulf %parallel_loop3A_442, %parallel_loop3A_442 : vector<16xf32>
            %parallel_loop3A_472 = arith.mulf %parallel_loop3A_470, %parallel_loop3A_471 : vector<16xf32>
            %parallel_loop3A_473 = arith.index_cast %scan3A_412 : i32 to index
            %parallel_loop3A_474 = arith.index_cast %parallel_loop3A_415 : i32 to index
            %parallel_loop3A_475 = tpu.vector_load %arg7[%parallel_loop3A_473, %parallel_loop3A_474] {strides = array<i32>} : memref<8x1408xf32, #tpu.memory_space<vmem>>, vector<1x16xf32>,
            %parallel_loop3A_476 = vector.shape_cast %parallel_loop3A_475 : vector<1x16xf32> to vector<16xf32>
            %parallel_loop3A_477 = vector.shape_cast %parallel_loop3A_472 : vector<16xf32> to vector<1x16xf32>
            tpu.vector_store %arg7[%parallel_loop3A_473, %parallel_loop3A_474], %parallel_loop3A_477 {strides = array<i32>} : memref<8x1408xf32, #tpu.memory_space<vmem>>, vector<1x16xf32>,
          } {sc.loop_unroll_factor = 8 : i64, sc.parallel_access}
        }
        %scan3A_408 = arith.constant 8 : i32
        %dma_start3A = tpu.memref_slice %arg4[%cond3A_273, %mul3A_249, %mul3A_267] : memref<1x80x99968xf32, #tpu.memory_space<hbm>> -> memref<1x8x1408xf32, #tpu.memory_space<hbm>>
        %dma_start3A_409 = tpu.memref_squeeze %dma_start3A : memref<1x8x1408xf32, #tpu.memory_space<hbm>> -> memref<8x1408xf32, #tpu.memory_space<hbm>>
        %dma_start3A_410 = tpu.memref_slice %arg4[%cond3A_273, %mul3A_249, %mul3A_267] : memref<1x80x99968xf32, #tpu.memory_space<hbm>> -> memref<1x8x1408xf32, #tpu.memory_space<hbm>>
        %dma_start3A_411 = tpu.memref_squeeze %dma_start3A_410 : memref<1x8x1408xf32, #tpu.memory_space<hbm>> -> memref<8x1408xf32, #tpu.memory_space<hbm>>
        tpu.enqueue_dma source(%arg7 : memref<8x1408xf32, #tpu.memory_space<vmem>>) target(%dma_start3A_411 : memref<8x1408xf32, #tpu.memory_space<hbm>>) target_semaphore(%arg13 : memref<!tpu.dma_semaphore, #tpu.memory_space<semaphore_mem>>)
      } else {
      }
      %add3A_276 = arith.constant 2 : i32
      %add3A_277 = arith.addi %mul3A_161, %add3A_276 : i32
      %mul3A_278 = arith.constant 24 : i32
      %mul3A_279 = arith.muli %add3A, %mul3A_278 : i32
      %add3A_280 = arith.addi %mul3A_279, %add3A_277 : i32
      %jit3A_281 = arith.constant 71 : i32
      %div3A_282 = arith.divsi %add3A_280, %jit3A_281 : i32
      %sign3A_283 = arith.constant 0 : i32
      %sign3A_284 = arith.cmpi sgt, %add3A_280, %sign3A_283 : i32
      %sign3A_285 = arith.extui %sign3A_284 : i1 to i32
      %sign3A_286 = arith.constant 0 : i32
      %sign3A_287 = arith.cmpi slt, %add3A_280, %sign3A_286 : i32
      %sign3A_288 = arith.extui %sign3A_287 : i1 to i32
      %sign3A_289 = arith.subi %sign3A_285, %sign3A_288 : i32
      %sign3A_290 = arith.constant 0 : i32
      %sign3A_291 = arith.cmpi sgt, %jit3A_281, %sign3A_290 : i32
      %sign3A_292 = arith.extui %sign3A_291 : i1 to i32
      %sign3A_293 = arith.constant 0 : i32
      %sign3A_294 = arith.cmpi slt, %jit3A_281, %sign3A_293 : i32
      %sign3A_295 = arith.extui %sign3A_294 : i1 to i32
      %sign3A_296 = arith.subi %sign3A_292, %sign3A_295 : i32
      %ne3A_297 = arith.cmpi ne, %sign3A_289, %sign3A_296 : i32
      %rem3A_298 = arith.remsi %add3A_280, %jit3A_281 : i32
      %ne3A_299 = arith.constant 0 : i32
      %ne3A_300 = arith.cmpi ne, %rem3A_298, %ne3A_299 : i32
      %and3A_301 = arith.andi %ne3A_297, %ne3A_300 : i1
      %sub3A_302 = arith.constant 1 : i32
      %sub3A_303 = arith.subi %div3A_282, %sub3A_302 : i32
      %select_n3A_304 = arith.select %and3A_301, %sub3A_303, %div3A_282 : i32
      %mul3A_305 = arith.constant 8 : i32
      %mul3A_306 = arith.muli %select_n3A_304, %mul3A_305 : i32
      %jit3A_307 = arith.constant 71 : i32
      %eq3A_308 = arith.constant 0 : i32
      %eq3A_309 = arith.cmpi eq, %jit3A_307, %eq3A_308 : i32
      %jit3A_310 = arith.constant 1 : i32
      %select_n3A_311 = arith.select %eq3A_309, %jit3A_310, %jit3A_307 : i32
      %rem3A_312 = arith.remsi %add3A_280, %select_n3A_311 : i32
      %ne3A_313 = arith.constant 0 : i32
      %ne3A_314 = arith.cmpi ne, %rem3A_312, %ne3A_313 : i32
      %lt3A_315 = arith.constant 0 : i32
      %lt3A_316 = arith.cmpi slt, %rem3A_312, %lt3A_315 : i32
      %lt3A_317 = arith.constant 0 : i32
      %lt3A_318 = arith.cmpi slt, %select_n3A_311, %lt3A_317 : i32
      %ne3A_319 = arith.xori %lt3A_316, %lt3A_318 : i1
      %and3A_320 = arith.andi %ne3A_319, %ne3A_314 : i1
      %add3A_321 = arith.addi %rem3A_312, %select_n3A_311 : i32
      %select_n3A_322 = arith.select %and3A_320, %add3A_321, %rem3A_312 : i32
      %mul3A_323 = arith.constant 1408 : i32
      %mul3A_324 = arith.muli %select_n3A_322, %mul3A_323 : i32
      %lt3A_325 = arith.constant 24 : i32
      %lt3A_326 = arith.cmpi slt, %add3A_277, %lt3A_325 : i32
      %lt3A_327 = arith.constant 710 : i32
      %lt3A_328 = arith.cmpi slt, %add3A_280, %lt3A_327 : i32
      %and3A_329 = arith.andi %lt3A_326, %lt3A_328 : i1
      %convert_element_type3A_330 = arith.extui %and3A_329 : i1 to i32
      %cond3A_331 = arith.constant 3 : i32
      %cond3A_332 = arith.constant 3 : i32
      %cond3A_333 = arith.constant 0 : i32
      %cond3A_334 = arith.cmpi ne, %convert_element_type3A_330, %cond3A_333 : i32
      scf.if %cond3A_334 {
        %dma_start3A = tpu.memref_slice %arg2[%cond3A_331, %mul3A_306, %mul3A_324] : memref<4x80x100000xf32, #tpu.memory_space<hbm>> -> memref<1x8x1408xf32, #tpu.memory_space<hbm>>
        %dma_start3A_392 = tpu.memref_squeeze %dma_start3A : memref<1x8x1408xf32, #tpu.memory_space<hbm>> -> memref<8x1408xf32, #tpu.memory_space<hbm>>
        %dma_start3A_393 = tpu.memref_slice %arg2[%cond3A_331, %mul3A_306, %mul3A_324] : memref<4x80x100000xf32, #tpu.memory_space<hbm>> -> memref<1x8x1408xf32, #tpu.memory_space<hbm>>
        %dma_start3A_394 = tpu.memref_squeeze %dma_start3A_393 : memref<1x8x1408xf32, #tpu.memory_space<hbm>> -> memref<8x1408xf32, #tpu.memory_space<hbm>>
        tpu.enqueue_dma source(%dma_start3A_394 : memref<8x1408xf32, #tpu.memory_space<hbm>>) target(%arg5 : memref<8x1408xf32, #tpu.memory_space<vmem>>) target_semaphore(%arg11 : memref<!tpu.dma_semaphore, #tpu.memory_space<semaphore_mem>>)
        %dma_start3A_395 = tpu.memref_slice %arg3[%cond3A_332, %mul3A_306, %mul3A_324] : memref<4x80x100000xf32, #tpu.memory_space<hbm>> -> memref<1x8x1408xf32, #tpu.memory_space<hbm>>
        %dma_start3A_396 = tpu.memref_squeeze %dma_start3A_395 : memref<1x8x1408xf32, #tpu.memory_space<hbm>> -> memref<8x1408xf32, #tpu.memory_space<hbm>>
        %dma_start3A_397 = tpu.memref_slice %arg3[%cond3A_332, %mul3A_306, %mul3A_324] : memref<4x80x100000xf32, #tpu.memory_space<hbm>> -> memref<1x8x1408xf32, #tpu.memory_space<hbm>>
        %dma_start3A_398 = tpu.memref_squeeze %dma_start3A_397 : memref<1x8x1408xf32, #tpu.memory_space<hbm>> -> memref<8x1408xf32, #tpu.memory_space<hbm>>
        tpu.enqueue_dma source(%dma_start3A_398 : memref<8x1408xf32, #tpu.memory_space<hbm>>) target(%arg6 : memref<8x1408xf32, #tpu.memory_space<vmem>>) target_semaphore(%arg11 : memref<!tpu.dma_semaphore, #tpu.memory_space<semaphore_mem>>)
      } else {
      }
      %add3A_335 = arith.constant 1 : i32
      %add3A_336 = arith.addi %mul3A_161, %add3A_335 : i32
      %mul3A_337 = arith.constant 24 : i32
      %mul3A_338 = arith.muli %add3A, %mul3A_337 : i32
      %add3A_339 = arith.addi %mul3A_338, %add3A_336 : i32
      %jit3A_340 = arith.constant 71 : i32
      %div3A_341 = arith.divsi %add3A_339, %jit3A_340 : i32
      %sign3A_342 = arith.constant 0 : i32
      %sign3A_343 = arith.cmpi sgt, %add3A_339, %sign3A_342 : i32
      %sign3A_344 = arith.extui %sign3A_343 : i1 to i32
      %sign3A_345 = arith.constant 0 : i32
      %sign3A_346 = arith.cmpi slt, %add3A_339, %sign3A_345 : i32
      %sign3A_347 = arith.extui %sign3A_346 : i1 to i32
      %sign3A_348 = arith.subi %sign3A_344, %sign3A_347 : i32
      %sign3A_349 = arith.constant 0 : i32
      %sign3A_350 = arith.cmpi sgt, %jit3A_340, %sign3A_349 : i32
      %sign3A_351 = arith.extui %sign3A_350 : i1 to i32
      %sign3A_352 = arith.constant 0 : i32
      %sign3A_353 = arith.cmpi slt, %jit3A_340, %sign3A_352 : i32
      %sign3A_354 = arith.extui %sign3A_353 : i1 to i32
      %sign3A_355 = arith.subi %sign3A_351, %sign3A_354 : i32
      %ne3A_356 = arith.cmpi ne, %sign3A_348, %sign3A_355 : i32
      %rem3A_357 = arith.remsi %add3A_339, %jit3A_340 : i32
      %ne3A_358 = arith.constant 0 : i32
      %ne3A_359 = arith.cmpi ne, %rem3A_357, %ne3A_358 : i32
      %and3A_360 = arith.andi %ne3A_356, %ne3A_359 : i1
      %sub3A_361 = arith.constant 1 : i32
      %sub3A_362 = arith.subi %div3A_341, %sub3A_361 : i32
      %select_n3A_363 = arith.select %and3A_360, %sub3A_362, %div3A_341 : i32
      %mul3A_364 = arith.constant 8 : i32
      %mul3A_365 = arith.muli %select_n3A_363, %mul3A_364 : i32
      %jit3A_366 = arith.constant 71 : i32
      %eq3A_367 = arith.constant 0 : i32
      %eq3A_368 = arith.cmpi eq, %jit3A_366, %eq3A_367 : i32
      %jit3A_369 = arith.constant 1 : i32
      %select_n3A_370 = arith.select %eq3A_368, %jit3A_369, %jit3A_366 : i32
      %rem3A_371 = arith.remsi %add3A_339, %select_n3A_370 : i32
      %ne3A_372 = arith.constant 0 : i32
      %ne3A_373 = arith.cmpi ne, %rem3A_371, %ne3A_372 : i32
      %lt3A_374 = arith.constant 0 : i32
      %lt3A_375 = arith.cmpi slt, %rem3A_371, %lt3A_374 : i32
      %lt3A_376 = arith.constant 0 : i32
      %lt3A_377 = arith.cmpi slt, %select_n3A_370, %lt3A_376 : i32
      %ne3A_378 = arith.xori %lt3A_375, %lt3A_377 : i1
      %and3A_379 = arith.andi %ne3A_378, %ne3A_373 : i1
      %add3A_380 = arith.addi %rem3A_371, %select_n3A_370 : i32
      %select_n3A_381 = arith.select %and3A_379, %add3A_380, %rem3A_371 : i32
      %mul3A_382 = arith.constant 1408 : i32
      %mul3A_383 = arith.muli %select_n3A_381, %mul3A_382 : i32
      %lt3A_384 = arith.constant 710 : i32
      %lt3A_385 = arith.cmpi slt, %add3A_339, %lt3A_384 : i32
      %convert_element_type3A_386 = arith.extui %lt3A_385 : i1 to i32
      %cond3A_387 = arith.constant 3 : i32
      %cond3A_388 = arith.constant 3 : i32
      %cond3A_389 = arith.constant 0 : i32
      %cond3A_390 = arith.constant 0 : i32
      %cond3A_391 = arith.cmpi ne, %convert_element_type3A_386, %cond3A_390 : i32
      scf.if %cond3A_391 {
        %dma_wait3A = tpu.memref_slice %arg2[%cond3A_387, %mul3A_365, %mul3A_383] : memref<4x80x100000xf32, #tpu.memory_space<hbm>> -> memref<1x8x1408xf32, #tpu.memory_space<hbm>>
        %dma_wait3A_392 = tpu.memref_squeeze %dma_wait3A : memref<1x8x1408xf32, #tpu.memory_space<hbm>> -> memref<8x1408xf32, #tpu.memory_space<hbm>>
        %dma_wait3A_393 = tpu.memref_slice %arg2[%cond3A_387, %mul3A_365, %mul3A_383] : memref<4x80x100000xf32, #tpu.memory_space<hbm>> -> memref<1x8x1408xf32, #tpu.memory_space<hbm>>
        %dma_wait3A_394 = tpu.memref_squeeze %dma_wait3A_393 : memref<1x8x1408xf32, #tpu.memory_space<hbm>> -> memref<8x1408xf32, #tpu.memory_space<hbm>>
        tpu.wait_dma2 semaphore(%arg12 : memref<!tpu.dma_semaphore, #tpu.memory_space<semaphore_mem>>) src(%dma_wait3A_394 : memref<8x1408xf32, #tpu.memory_space<hbm>>) dst(%arg8 : memref<8x1408xf32, #tpu.memory_space<vmem>>)
        %dma_wait3A_395 = tpu.memref_slice %arg3[%cond3A_388, %mul3A_365, %mul3A_383] : memref<4x80x100000xf32, #tpu.memory_space<hbm>> -> memref<1x8x1408xf32, #tpu.memory_space<hbm>>
        %dma_wait3A_396 = tpu.memref_squeeze %dma_wait3A_395 : memref<1x8x1408xf32, #tpu.memory_space<hbm>> -> memref<8x1408xf32, #tpu.memory_space<hbm>>
        %dma_wait3A_397 = tpu.memref_slice %arg3[%cond3A_388, %mul3A_365, %mul3A_383] : memref<4x80x100000xf32, #tpu.memory_space<hbm>> -> memref<1x8x1408xf32, #tpu.memory_space<hbm>>
        %dma_wait3A_398 = tpu.memref_squeeze %dma_wait3A_397 : memref<1x8x1408xf32, #tpu.memory_space<hbm>> -> memref<8x1408xf32, #tpu.memory_space<hbm>>
        tpu.wait_dma2 semaphore(%arg12 : memref<!tpu.dma_semaphore, #tpu.memory_space<semaphore_mem>>) src(%dma_wait3A_398 : memref<8x1408xf32, #tpu.memory_space<hbm>>) dst(%arg9 : memref<8x1408xf32, #tpu.memory_space<vmem>>)
        %ge3A = arith.constant 2 : i32
        %ge3A_399 = arith.cmpi sge, %add3A_336, %ge3A : i32
        %convert_element_type3A_400 = arith.extui %ge3A_399 : i1 to i32
        %cond3A_401 = arith.constant 0 : i32
        %cond3A_402 = arith.cmpi ne, %convert_element_type3A_400, %cond3A_401 : i32
        scf.if %cond3A_402 {
          %sub3A_412 = arith.constant 2 : i32
          %sub3A_413 = arith.subi %add3A_336, %sub3A_412 : i32
          %mul3A_414 = arith.constant 24 : i32
          %mul3A_415 = arith.muli %add3A, %mul3A_414 : i32
          %add3A_416 = arith.addi %mul3A_415, %sub3A_413 : i32
          %jit3A_417 = arith.constant 71 : i32
          %div3A_418 = arith.divsi %add3A_416, %jit3A_417 : i32
          %sign3A_419 = arith.constant 0 : i32
          %sign3A_420 = arith.cmpi sgt, %add3A_416, %sign3A_419 : i32
          %sign3A_421 = arith.extui %sign3A_420 : i1 to i32
          %sign3A_422 = arith.constant 0 : i32
          %sign3A_423 = arith.cmpi slt, %add3A_416, %sign3A_422 : i32
          %sign3A_424 = arith.extui %sign3A_423 : i1 to i32
          %sign3A_425 = arith.subi %sign3A_421, %sign3A_424 : i32
          %sign3A_426 = arith.constant 0 : i32
          %sign3A_427 = arith.cmpi sgt, %jit3A_417, %sign3A_426 : i32
          %sign3A_428 = arith.extui %sign3A_427 : i1 to i32
          %sign3A_429 = arith.constant 0 : i32
          %sign3A_430 = arith.cmpi slt, %jit3A_417, %sign3A_429 : i32
          %sign3A_431 = arith.extui %sign3A_430 : i1 to i32
          %sign3A_432 = arith.subi %sign3A_428, %sign3A_431 : i32
          %ne3A_433 = arith.cmpi ne, %sign3A_425, %sign3A_432 : i32
          %rem3A_434 = arith.remsi %add3A_416, %jit3A_417 : i32
          %ne3A_435 = arith.constant 0 : i32
          %ne3A_436 = arith.cmpi ne, %rem3A_434, %ne3A_435 : i32
          %and3A_437 = arith.andi %ne3A_433, %ne3A_436 : i1
          %sub3A_438 = arith.constant 1 : i32
          %sub3A_439 = arith.subi %div3A_418, %sub3A_438 : i32
          %select_n3A_440 = arith.select %and3A_437, %sub3A_439, %div3A_418 : i32
          %mul3A_441 = arith.constant 8 : i32
          %mul3A_442 = arith.muli %select_n3A_440, %mul3A_441 : i32
          %jit3A_443 = arith.constant 71 : i32
          %eq3A_444 = arith.constant 0 : i32
          %eq3A_445 = arith.cmpi eq, %jit3A_443, %eq3A_444 : i32
          %jit3A_446 = arith.constant 1 : i32
          %select_n3A_447 = arith.select %eq3A_445, %jit3A_446, %jit3A_443 : i32
          %rem3A_448 = arith.remsi %add3A_416, %select_n3A_447 : i32
          %ne3A_449 = arith.constant 0 : i32
          %ne3A_450 = arith.cmpi ne, %rem3A_448, %ne3A_449 : i32
          %lt3A_451 = arith.constant 0 : i32
          %lt3A_452 = arith.cmpi slt, %rem3A_448, %lt3A_451 : i32
          %lt3A_453 = arith.constant 0 : i32
          %lt3A_454 = arith.cmpi slt, %select_n3A_447, %lt3A_453 : i32
          %ne3A_455 = arith.xori %lt3A_452, %lt3A_454 : i1
          %and3A_456 = arith.andi %ne3A_455, %ne3A_450 : i1
          %add3A_457 = arith.addi %rem3A_448, %select_n3A_447 : i32
          %select_n3A_458 = arith.select %and3A_456, %add3A_457, %rem3A_448 : i32
          %mul3A_459 = arith.constant 1408 : i32
          %mul3A_460 = arith.muli %select_n3A_458, %mul3A_459 : i32
          %dma_wait3A_461 = arith.constant 0 : i32
          %dma_wait3A_462 = tpu.memref_slice %arg4[%dma_wait3A_461, %mul3A_442, %mul3A_460] : memref<1x80x99968xf32, #tpu.memory_space<hbm>> -> memref<1x8x1408xf32, #tpu.memory_space<hbm>>
          %dma_wait3A_463 = tpu.memref_squeeze %dma_wait3A_462 : memref<1x8x1408xf32, #tpu.memory_space<hbm>> -> memref<8x1408xf32, #tpu.memory_space<hbm>>
          %dma_wait3A_464 = tpu.memref_slice %arg4[%dma_wait3A_461, %mul3A_442, %mul3A_460] : memref<1x80x99968xf32, #tpu.memory_space<hbm>> -> memref<1x8x1408xf32, #tpu.memory_space<hbm>>
          %dma_wait3A_465 = tpu.memref_squeeze %dma_wait3A_464 : memref<1x8x1408xf32, #tpu.memory_space<hbm>> -> memref<8x1408xf32, #tpu.memory_space<hbm>>
          tpu.wait_dma2 semaphore(%arg14 : memref<!tpu.dma_semaphore, #tpu.memory_space<semaphore_mem>>) src(%arg10 : memref<8x1408xf32, #tpu.memory_space<vmem>>) dst(%dma_wait3A_465 : memref<8x1408xf32, #tpu.memory_space<hbm>>)
        } else {
        }
        %scan3A_403 = arith.constant 0 : i32
        %scan3A_404 = arith.constant 0 : i32
        %scan3A_405 = arith.constant 8 : i32
        %scan3A_406 = arith.addi %scan3A_404, %scan3A_405 : i32
        %scan3A_407 = arith.constant 1 : i32
        scf.for %scan3A_412 = %scan3A_404 to %scan3A_406 step %scan3A_407  : i32 {
          %parallel_loop3A = arith.constant 0 : i32
          %parallel_loop3A_413 = arith.constant 1408 : i32
          %parallel_loop3A_414 = arith.constant 16 : i32
          scf.for %parallel_loop3A_415 = %parallel_loop3A to %parallel_loop3A_413 step %parallel_loop3A_414  : i32 {
            %parallel_loop3A_416 = arith.index_cast %scan3A_412 : i32 to index
            %parallel_loop3A_417 = arith.index_cast %parallel_loop3A_415 : i32 to index
            %parallel_loop3A_418 = tpu.vector_load %arg8[%parallel_loop3A_416, %parallel_loop3A_417] {strides = array<i32>} : memref<8x1408xf32, #tpu.memory_space<vmem>>, vector<1x16xf32>,
            %parallel_loop3A_419 = vector.shape_cast %parallel_loop3A_418 : vector<1x16xf32> to vector<16xf32>
            %parallel_loop3A_420 = arith.index_cast %scan3A_412 : i32 to index
            %parallel_loop3A_421 = arith.index_cast %parallel_loop3A_415 : i32 to index
            %parallel_loop3A_422 = tpu.vector_load %arg9[%parallel_loop3A_420, %parallel_loop3A_421] {strides = array<i32>} : memref<8x1408xf32, #tpu.memory_space<vmem>>, vector<1x16xf32>,
            %parallel_loop3A_423 = vector.shape_cast %parallel_loop3A_422 : vector<1x16xf32> to vector<16xf32>
            %parallel_loop3A_424 = arith.addf %parallel_loop3A_423, %parallel_loop3A_423 : vector<16xf32>
            %parallel_loop3A_425 = arith.mulf %parallel_loop3A_424, %parallel_loop3A_419 : vector<16xf32>
            %parallel_loop3A_426 = arith.subf %parallel_loop3A_419, %parallel_loop3A_425 : vector<16xf32>
            %parallel_loop3A_427 = math.absf %parallel_loop3A_426 : vector<16xf32>
            %parallel_loop3A_428 = arith.constant 0.000000e+00 : f32
            %parallel_loop3A_429 = vector.broadcast %parallel_loop3A_428 : f32 to vector<16xf32>
            %parallel_loop3A_430 = arith.subf %parallel_loop3A_429, %parallel_loop3A_427 : vector<16xf32>
            %parallel_loop3A_431 = math.exp %parallel_loop3A_430 : vector<16xf32>
            %parallel_loop3A_432 = arith.constant 1.000000e+00 : f32
            %parallel_loop3A_433 = vector.broadcast %parallel_loop3A_432 : f32 to vector<16xf32>
            %parallel_loop3A_434 = arith.addf %parallel_loop3A_433, %parallel_loop3A_431 : vector<16xf32>
            %parallel_loop3A_435 = arith.constant 1.000000e+00 : f32
            %parallel_loop3A_436 = vector.broadcast %parallel_loop3A_435 : f32 to vector<16xf32>
            %parallel_loop3A_437 = arith.divf %parallel_loop3A_436, %parallel_loop3A_434 : vector<16xf32>
            %parallel_loop3A_438 = arith.constant 0.000000e+00 : f32
            %parallel_loop3A_439 = vector.broadcast %parallel_loop3A_438 : f32 to vector<16xf32>
            %parallel_loop3A_440 = arith.cmpf ogt, %parallel_loop3A_426, %parallel_loop3A_439 : vector<16xf32>
            %parallel_loop3A_441 = arith.mulf %parallel_loop3A_431, %parallel_loop3A_437 : vector<16xf32>
            %parallel_loop3A_442 = arith.select %parallel_loop3A_440, %parallel_loop3A_437, %parallel_loop3A_441 : vector<16xi1>, vector<16xf32>
            %parallel_loop3A_443 = arith.constant 1.000000e+00 : f32
            %parallel_loop3A_444 = vector.broadcast %parallel_loop3A_443 : f32 to vector<16xf32>
            %parallel_loop3A_445 = arith.addf %parallel_loop3A_444, %parallel_loop3A_434 : vector<16xf32>
            %parallel_loop3A_446 = arith.divf %parallel_loop3A_431, %parallel_loop3A_445 : vector<16xf32>
            %parallel_loop3A_447 = arith.mulf %parallel_loop3A_446, %parallel_loop3A_446 : vector<16xf32>
            %parallel_loop3A_448 = arith.constant 2.000000e-01 : f32
            %parallel_loop3A_449 = vector.broadcast %parallel_loop3A_448 : f32 to vector<16xf32>
            %parallel_loop3A_450 = arith.mulf %parallel_loop3A_449, %parallel_loop3A_447 : vector<16xf32>
            %parallel_loop3A_451 = arith.constant 0.333333343 : f32
            %parallel_loop3A_452 = vector.broadcast %parallel_loop3A_451 : f32 to vector<16xf32>
            %parallel_loop3A_453 = arith.addf %parallel_loop3A_450, %parallel_loop3A_452 : vector<16xf32>
            %parallel_loop3A_454 = arith.mulf %parallel_loop3A_453, %parallel_loop3A_447 : vector<16xf32>
            %parallel_loop3A_455 = arith.constant 1.000000e+00 : f32
            %parallel_loop3A_456 = vector.broadcast %parallel_loop3A_455 : f32 to vector<16xf32>
            %parallel_loop3A_457 = arith.addf %parallel_loop3A_454, %parallel_loop3A_456 : vector<16xf32>
            %parallel_loop3A_458 = arith.addf %parallel_loop3A_446, %parallel_loop3A_446 : vector<16xf32>
            %parallel_loop3A_459 = arith.mulf %parallel_loop3A_458, %parallel_loop3A_457 : vector<16xf32>
            %parallel_loop3A_460 = arith.constant 0.000000e+00 : f32
            %parallel_loop3A_461 = vector.broadcast %parallel_loop3A_460 : f32 to vector<16xf32>
            %parallel_loop3A_462 = arith.maximumf %parallel_loop3A_426, %parallel_loop3A_461 : vector<16xf32>
            %parallel_loop3A_463 = arith.addf %parallel_loop3A_462, %parallel_loop3A_459 : vector<16xf32>
            %parallel_loop3A_464 = arith.constant 2.500000e-01 : f32
            %parallel_loop3A_465 = vector.broadcast %parallel_loop3A_464 : f32 to vector<16xf32>
            %parallel_loop3A_466 = arith.mulf %parallel_loop3A_465, %parallel_loop3A_424 : vector<16xf32>
            %parallel_loop3A_467 = arith.constant 7.500000e-01 : f32
            %parallel_loop3A_468 = vector.broadcast %parallel_loop3A_467 : f32 to vector<16xf32>
            %parallel_loop3A_469 = arith.subf %parallel_loop3A_468, %parallel_loop3A_466 : vector<16xf32>
            %parallel_loop3A_470 = arith.mulf %parallel_loop3A_469, %parallel_loop3A_463 : vector<16xf32>
            %parallel_loop3A_471 = arith.mulf %parallel_loop3A_442, %parallel_loop3A_442 : vector<16xf32>
            %parallel_loop3A_472 = arith.mulf %parallel_loop3A_470, %parallel_loop3A_471 : vector<16xf32>
            %parallel_loop3A_473 = arith.index_cast %scan3A_412 : i32 to index
            %parallel_loop3A_474 = arith.index_cast %parallel_loop3A_415 : i32 to index
            %parallel_loop3A_475 = tpu.vector_load %arg10[%parallel_loop3A_473, %parallel_loop3A_474] {strides = array<i32>} : memref<8x1408xf32, #tpu.memory_space<vmem>>, vector<1x16xf32>,
            %parallel_loop3A_476 = vector.shape_cast %parallel_loop3A_475 : vector<1x16xf32> to vector<16xf32>
            %parallel_loop3A_477 = vector.shape_cast %parallel_loop3A_472 : vector<16xf32> to vector<1x16xf32>
            tpu.vector_store %arg10[%parallel_loop3A_473, %parallel_loop3A_474], %parallel_loop3A_477 {strides = array<i32>} : memref<8x1408xf32, #tpu.memory_space<vmem>>, vector<1x16xf32>,
          } {sc.loop_unroll_factor = 8 : i64, sc.parallel_access}
        }
        %scan3A_408 = arith.constant 8 : i32
        %dma_start3A = tpu.memref_slice %arg4[%cond3A_389, %mul3A_365, %mul3A_383] : memref<1x80x99968xf32, #tpu.memory_space<hbm>> -> memref<1x8x1408xf32, #tpu.memory_space<hbm>>
        %dma_start3A_409 = tpu.memref_squeeze %dma_start3A : memref<1x8x1408xf32, #tpu.memory_space<hbm>> -> memref<8x1408xf32, #tpu.memory_space<hbm>>
        %dma_start3A_410 = tpu.memref_slice %arg4[%cond3A_389, %mul3A_365, %mul3A_383] : memref<1x80x99968xf32, #tpu.memory_space<hbm>> -> memref<1x8x1408xf32, #tpu.memory_space<hbm>>
        %dma_start3A_411 = tpu.memref_squeeze %dma_start3A_410 : memref<1x8x1408xf32, #tpu.memory_space<hbm>> -> memref<8x1408xf32, #tpu.memory_space<hbm>>
        tpu.enqueue_dma source(%arg10 : memref<8x1408xf32, #tpu.memory_space<vmem>>) target(%dma_start3A_411 : memref<8x1408xf32, #tpu.memory_space<hbm>>) target_semaphore(%arg14 : memref<!tpu.dma_semaphore, #tpu.memory_space<semaphore_mem>>)
      } else {
      }
    }
    %scan3A_50 = arith.constant 12 : i32
    %mul3A_51 = arith.constant 24 : i32
    %mul3A_52 = arith.muli %add3A, %mul3A_51 : i32
    %add3A_53 = arith.constant 22 : i32
    %add3A_54 = arith.addi %mul3A_52, %add3A_53 : i32
    %jit3A_55 = arith.constant 71 : i32
    %div3A_56 = arith.divsi %add3A_54, %jit3A_55 : i32
    %sign3A_57 = arith.constant 0 : i32
    %sign3A_58 = arith.cmpi sgt, %add3A_54, %sign3A_57 : i32
    %sign3A_59 = arith.extui %sign3A_58 : i1 to i32
    %sign3A_60 = arith.constant 0 : i32
    %sign3A_61 = arith.cmpi slt, %add3A_54, %sign3A_60 : i32
    %sign3A_62 = arith.extui %sign3A_61 : i1 to i32
    %sign3A_63 = arith.subi %sign3A_59, %sign3A_62 : i32
    %sign3A_64 = arith.constant 0 : i32
    %sign3A_65 = arith.cmpi sgt, %jit3A_55, %sign3A_64 : i32
    %sign3A_66 = arith.extui %sign3A_65 : i1 to i32
    %sign3A_67 = arith.constant 0 : i32
    %sign3A_68 = arith.cmpi slt, %jit3A_55, %sign3A_67 : i32
    %sign3A_69 = arith.extui %sign3A_68 : i1 to i32
    %sign3A_70 = arith.subi %sign3A_66, %sign3A_69 : i32
    %ne3A_71 = arith.cmpi ne, %sign3A_63, %sign3A_70 : i32
    %rem3A_72 = arith.remsi %add3A_54, %jit3A_55 : i32
    %ne3A_73 = arith.constant 0 : i32
    %ne3A_74 = arith.cmpi ne, %rem3A_72, %ne3A_73 : i32
    %and3A_75 = arith.andi %ne3A_71, %ne3A_74 : i1
    %sub3A_76 = arith.constant 1 : i32
    %sub3A_77 = arith.subi %div3A_56, %sub3A_76 : i32
    %select_n3A_78 = arith.select %and3A_75, %sub3A_77, %div3A_56 : i32
    %mul3A_79 = arith.constant 8 : i32
    %mul3A_80 = arith.muli %select_n3A_78, %mul3A_79 : i32
    %jit3A_81 = arith.constant 71 : i32
    %eq3A_82 = arith.constant 0 : i32
    %eq3A_83 = arith.cmpi eq, %jit3A_81, %eq3A_82 : i32
    %jit3A_84 = arith.constant 1 : i32
    %select_n3A_85 = arith.select %eq3A_83, %jit3A_84, %jit3A_81 : i32
    %rem3A_86 = arith.remsi %add3A_54, %select_n3A_85 : i32
    %ne3A_87 = arith.constant 0 : i32
    %ne3A_88 = arith.cmpi ne, %rem3A_86, %ne3A_87 : i32
    %lt3A_89 = arith.constant 0 : i32
    %lt3A_90 = arith.cmpi slt, %rem3A_86, %lt3A_89 : i32
    %lt3A_91 = arith.constant 0 : i32
    %lt3A_92 = arith.cmpi slt, %select_n3A_85, %lt3A_91 : i32
    %ne3A_93 = arith.xori %lt3A_90, %lt3A_92 : i1
    %and3A_94 = arith.andi %ne3A_93, %ne3A_88 : i1
    %add3A_95 = arith.addi %rem3A_86, %select_n3A_85 : i32
    %select_n3A_96 = arith.select %and3A_94, %add3A_95, %rem3A_86 : i32
    %mul3A_97 = arith.constant 1408 : i32
    %mul3A_98 = arith.muli %select_n3A_96, %mul3A_97 : i32
    %lt3A_99 = arith.constant 710 : i32
    %lt3A_100 = arith.cmpi slt, %add3A_54, %lt3A_99 : i32
    %convert_element_type3A_101 = arith.extui %lt3A_100 : i1 to i32
    %cond3A_102 = arith.constant 0 : i32
    %cond3A_103 = arith.constant 0 : i32
    %cond3A_104 = arith.cmpi ne, %convert_element_type3A_101, %cond3A_103 : i32
    scf.if %cond3A_104 {
      %dma_wait3A = tpu.memref_slice %arg4[%cond3A_102, %mul3A_80, %mul3A_98] : memref<1x80x99968xf32, #tpu.memory_space<hbm>> -> memref<1x8x1408xf32, #tpu.memory_space<hbm>>
      %dma_wait3A_159 = tpu.memref_squeeze %dma_wait3A : memref<1x8x1408xf32, #tpu.memory_space<hbm>> -> memref<8x1408xf32, #tpu.memory_space<hbm>>
      %dma_wait3A_160 = tpu.memref_slice %arg4[%cond3A_102, %mul3A_80, %mul3A_98] : memref<1x80x99968xf32, #tpu.memory_space<hbm>> -> memref<1x8x1408xf32, #tpu.memory_space<hbm>>
      %dma_wait3A_161 = tpu.memref_squeeze %dma_wait3A_160 : memref<1x8x1408xf32, #tpu.memory_space<hbm>> -> memref<8x1408xf32, #tpu.memory_space<hbm>>
      tpu.wait_dma2 semaphore(%arg13 : memref<!tpu.dma_semaphore, #tpu.memory_space<semaphore_mem>>) src(%arg7 : memref<8x1408xf32, #tpu.memory_space<vmem>>) dst(%dma_wait3A_161 : memref<8x1408xf32, #tpu.memory_space<hbm>>)
    } else {
    }
    %mul3A_105 = arith.constant 24 : i32
    %mul3A_106 = arith.muli %add3A, %mul3A_105 : i32
    %add3A_107 = arith.constant 23 : i32
    %add3A_108 = arith.addi %mul3A_106, %add3A_107 : i32
    %jit3A_109 = arith.constant 71 : i32
    %div3A_110 = arith.divsi %add3A_108, %jit3A_109 : i32
    %sign3A_111 = arith.constant 0 : i32
    %sign3A_112 = arith.cmpi sgt, %add3A_108, %sign3A_111 : i32
    %sign3A_113 = arith.extui %sign3A_112 : i1 to i32
    %sign3A_114 = arith.constant 0 : i32
    %sign3A_115 = arith.cmpi slt, %add3A_108, %sign3A_114 : i32
    %sign3A_116 = arith.extui %sign3A_115 : i1 to i32
    %sign3A_117 = arith.subi %sign3A_113, %sign3A_116 : i32
    %sign3A_118 = arith.constant 0 : i32
    %sign3A_119 = arith.cmpi sgt, %jit3A_109, %sign3A_118 : i32
    %sign3A_120 = arith.extui %sign3A_119 : i1 to i32
    %sign3A_121 = arith.constant 0 : i32
    %sign3A_122 = arith.cmpi slt, %jit3A_109, %sign3A_121 : i32
    %sign3A_123 = arith.extui %sign3A_122 : i1 to i32
    %sign3A_124 = arith.subi %sign3A_120, %sign3A_123 : i32
    %ne3A_125 = arith.cmpi ne, %sign3A_117, %sign3A_124 : i32
    %rem3A_126 = arith.remsi %add3A_108, %jit3A_109 : i32
    %ne3A_127 = arith.constant 0 : i32
    %ne3A_128 = arith.cmpi ne, %rem3A_126, %ne3A_127 : i32
    %and3A_129 = arith.andi %ne3A_125, %ne3A_128 : i1
    %sub3A_130 = arith.constant 1 : i32
    %sub3A_131 = arith.subi %div3A_110, %sub3A_130 : i32
    %select_n3A_132 = arith.select %and3A_129, %sub3A_131, %div3A_110 : i32
    %mul3A_133 = arith.constant 8 : i32
    %mul3A_134 = arith.muli %select_n3A_132, %mul3A_133 : i32
    %jit3A_135 = arith.constant 71 : i32
    %eq3A_136 = arith.constant 0 : i32
    %eq3A_137 = arith.cmpi eq, %jit3A_135, %eq3A_136 : i32
    %jit3A_138 = arith.constant 1 : i32
    %select_n3A_139 = arith.select %eq3A_137, %jit3A_138, %jit3A_135 : i32
    %rem3A_140 = arith.remsi %add3A_108, %select_n3A_139 : i32
    %ne3A_141 = arith.constant 0 : i32
    %ne3A_142 = arith.cmpi ne, %rem3A_140, %ne3A_141 : i32
    %lt3A_143 = arith.constant 0 : i32
    %lt3A_144 = arith.cmpi slt, %rem3A_140, %lt3A_143 : i32
    %lt3A_145 = arith.constant 0 : i32
    %lt3A_146 = arith.cmpi slt, %select_n3A_139, %lt3A_145 : i32
    %ne3A_147 = arith.xori %lt3A_144, %lt3A_146 : i1
    %and3A_148 = arith.andi %ne3A_147, %ne3A_142 : i1
    %add3A_149 = arith.addi %rem3A_140, %select_n3A_139 : i32
    %select_n3A_150 = arith.select %and3A_148, %add3A_149, %rem3A_140 : i32
    %mul3A_151 = arith.constant 1408 : i32
    %mul3A_152 = arith.muli %select_n3A_150, %mul3A_151 : i32
    %lt3A_153 = arith.constant 710 : i32
    %lt3A_154 = arith.cmpi slt, %add3A_108, %lt3A_153 : i32
    %convert_element_type3A_155 = arith.extui %lt3A_154 : i1 to i32
    %cond3A_156 = arith.constant 0 : i32
    %cond3A_157 = arith.constant 0 : i32
    %cond3A_158 = arith.cmpi ne, %convert_element_type3A_155, %cond3A_157 : i32
    scf.if %cond3A_158 {
      %dma_wait3A = tpu.memref_slice %arg4[%cond3A_156, %mul3A_134, %mul3A_152] : memref<1x80x99968xf32, #tpu.memory_space<hbm>> -> memref<1x8x1408xf32, #tpu.memory_space<hbm>>
      %dma_wait3A_159 = tpu.memref_squeeze %dma_wait3A : memref<1x8x1408xf32, #tpu.memory_space<hbm>> -> memref<8x1408xf32, #tpu.memory_space<hbm>>
      %dma_wait3A_160 = tpu.memref_slice %arg4[%cond3A_156, %mul3A_134, %mul3A_152] : memref<1x80x99968xf32, #tpu.memory_space<hbm>> -> memref<1x8x1408xf32, #tpu.memory_space<hbm>>
      %dma_wait3A_161 = tpu.memref_squeeze %dma_wait3A_160 : memref<1x8x1408xf32, #tpu.memory_space<hbm>> -> memref<8x1408xf32, #tpu.memory_space<hbm>>
      tpu.wait_dma2 semaphore(%arg14 : memref<!tpu.dma_semaphore, #tpu.memory_space<semaphore_mem>>) src(%arg10 : memref<8x1408xf32, #tpu.memory_space<vmem>>) dst(%dma_wait3A_161 : memref<8x1408xf32, #tpu.memory_space<hbm>>)
    } else {
    }
    return
  }
}

module attributes {stable_mosaic.version = 14 : i64} {
  func.func @_tc_block(%arg0: i32, %arg1: i32, %arg2: memref<1x80x12800xf32, #tpu.memory_space<vmem>>, %arg3: memref<1x80x12800xf32, #tpu.memory_space<vmem>>, %arg4: memref<1x80x12800xf32, #tpu.memory_space<vmem>>) attributes {dimension_semantics = [#tpu.dimension_semantics<arbitrary>, #tpu.dimension_semantics<arbitrary>], iteration_bounds = array<i64: 3, 8>, scalar_prefetch = 0 : i64, scratch_operands = 0 : i64, tpu.core_type = #tpu.core_type<tc>, window_params = [{transform_indices = @transform_0, window_bounds = array<i64: 1, 80, 12800>}, {transform_indices = @transform_1, window_bounds = array<i64: 1, 80, 12800>}, {transform_indices = @transform_2, window_bounds = array<i64: 1, 80, 12800>}]} {
    %get3A = arith.constant 0 : index
    %get3A_0 = arith.constant 0 : index
    %get3A_1 = arith.constant 0 : index
    %get3A_2 = vector.load %arg2[%get3A, %get3A_0, %get3A_1] : memref<1x80x12800xf32, #tpu.memory_space<vmem>>, vector<1x80x12800xf32>
    %get3A_3 = arith.constant 0 : index
    %get3A_4 = arith.constant 0 : index
    %get3A_5 = arith.constant 0 : index
    %get3A_6 = vector.load %arg3[%get3A_3, %get3A_4, %get3A_5] : memref<1x80x12800xf32, #tpu.memory_space<vmem>>, vector<1x80x12800xf32>
    %add3A = arith.addf %get3A_6, %get3A_6 : vector<1x80x12800xf32>
    %mul3A = arith.mulf %add3A, %get3A_2 : vector<1x80x12800xf32>
    %sub3A = arith.subf %get3A_2, %mul3A : vector<1x80x12800xf32>
    %abs3A = math.absf %sub3A : vector<1x80x12800xf32>
    %neg3A = arith.constant 0.000000e+00 : f32
    %neg3A_7 = vector.broadcast %neg3A : f32 to vector<1x80x12800xf32>
    %neg3A_8 = arith.subf %neg3A_7, %abs3A : vector<1x80x12800xf32>
    %exp3A = math.exp %neg3A_8 : vector<1x80x12800xf32>
    %add3A_9 = arith.constant 1.000000e+00 : f32
    %add3A_10 = vector.broadcast %add3A_9 : f32 to vector<1x80x12800xf32>
    %add3A_11 = arith.addf %add3A_10, %exp3A : vector<1x80x12800xf32>
    %div3A = arith.constant 1.000000e+00 : f32
    %div3A_12 = vector.broadcast %div3A : f32 to vector<1x80x12800xf32>
    %div3A_13 = arith.divf %div3A_12, %add3A_11 : vector<1x80x12800xf32>
    %gt3A = arith.constant 0.000000e+00 : f32
    %gt3A_14 = vector.broadcast %gt3A : f32 to vector<1x80x12800xf32>
    %gt3A_15 = arith.cmpf ogt, %sub3A, %gt3A_14 : vector<1x80x12800xf32>
    %mul3A_16 = arith.mulf %exp3A, %div3A_13 : vector<1x80x12800xf32>
    %select_n3A = arith.select %gt3A_15, %div3A_13, %mul3A_16 : vector<1x80x12800xi1>, vector<1x80x12800xf32>
    %max3A = arith.constant 0.000000e+00 : f32
    %max3A_17 = vector.broadcast %max3A : f32 to vector<1x80x12800xf32>
    %max3A_18 = arith.maximumf %sub3A, %max3A_17 : vector<1x80x12800xf32>
    %log3A = math.log %add3A_11 : vector<1x80x12800xf32>
    %add3A_19 = arith.addf %max3A_18, %log3A : vector<1x80x12800xf32>
    %mul3A_20 = arith.constant 5.000000e-01 : f32
    %mul3A_21 = vector.broadcast %mul3A_20 : f32 to vector<1x80x12800xf32>
    %mul3A_22 = arith.mulf %mul3A_21, %get3A_6 : vector<1x80x12800xf32>
    %sub3A_23 = arith.constant 7.500000e-01 : f32
    %sub3A_24 = vector.broadcast %sub3A_23 : f32 to vector<1x80x12800xf32>
    %sub3A_25 = arith.subf %sub3A_24, %mul3A_22 : vector<1x80x12800xf32>
    %mul3A_26 = arith.mulf %sub3A_25, %add3A_19 : vector<1x80x12800xf32>
    %mul3A_27 = arith.mulf %select_n3A, %select_n3A : vector<1x80x12800xf32>
    %mul3A_28 = arith.mulf %mul3A_26, %mul3A_27 : vector<1x80x12800xf32>
    %swap3A = arith.constant 0 : index
    %swap3A_29 = arith.constant 0 : index
    %swap3A_30 = arith.constant 0 : index
    %swap3A_31 = vector.load %arg4[%swap3A, %swap3A_29, %swap3A_30] : memref<1x80x12800xf32, #tpu.memory_space<vmem>>, vector<1x80x12800xf32>
    tpu.vector_store %arg4[%swap3A, %swap3A_29, %swap3A_30], %mul3A_28 {strides = array<i32>} : memref<1x80x12800xf32, #tpu.memory_space<vmem>>, vector<1x80x12800xf32>,
    return
  }
  func.func @transform_0(%arg0: i32, %arg1: i32) -> (i32, i32, i32) {
    %c0_i32 = arith.constant 0 : i32
    %c0_i32_0 = arith.constant 0 : i32
    return %arg0, %c0_i32, %arg1 : i32, i32, i32
  }
  func.func @transform_1(%arg0: i32, %arg1: i32) -> (i32, i32, i32) {
    %c0_i32 = arith.constant 0 : i32
    %c0_i32_0 = arith.constant 0 : i32
    return %arg0, %c0_i32, %arg1 : i32, i32, i32
  }
  func.func @transform_2(%arg0: i32, %arg1: i32) -> (i32, i32, i32) {
    %c0_i32 = arith.constant 0 : i32
    %c0_i32_0 = arith.constant 0 : i32
    return %arg0, %c0_i32, %arg1 : i32, i32, i32
  }
}

module attributes {stable_mosaic.version = 14 : i64} {
  func.func @_tc_block(%arg0: i32, %arg1: memref<1x80x128xf32, #tpu.memory_space<vmem>>, %arg2: memref<1x80x128xf32, #tpu.memory_space<vmem>>, %arg3: memref<1x80x128xf32, #tpu.memory_space<vmem>>) attributes {dimension_semantics = [#tpu.dimension_semantics<arbitrary>], iteration_bounds = array<i64: 1>, scalar_prefetch = 0 : i64, scratch_operands = 0 : i64, tpu.core_type = #tpu.core_type<tc>, window_params = [{transform_indices = @transform_0, window_bounds = array<i64: 1, 80, 128>}, {transform_indices = @transform_1, window_bounds = array<i64: 1, 80, 128>}, {pipeline_mode = #tpu.pipeline_mode<synchronous>, transform_indices = @transform_2, window_bounds = array<i64: 1, 80, 128>}]} {
    %get3A = arith.constant 0 : index
    %get3A_0 = arith.constant 0 : index
    %get3A_1 = arith.constant 0 : index
    %get3A_2 = vector.load %arg1[%get3A, %get3A_0, %get3A_1] : memref<1x80x128xf32, #tpu.memory_space<vmem>>, vector<1x80x128xf32>
    %get3A_3 = arith.constant 0 : index
    %get3A_4 = arith.constant 0 : index
    %get3A_5 = arith.constant 0 : index
    %get3A_6 = vector.load %arg2[%get3A_3, %get3A_4, %get3A_5] : memref<1x80x128xf32, #tpu.memory_space<vmem>>, vector<1x80x128xf32>
    %add3A = arith.addf %get3A_6, %get3A_6 : vector<1x80x128xf32>
    %mul3A = arith.mulf %add3A, %get3A_2 : vector<1x80x128xf32>
    %sub3A = arith.subf %get3A_2, %mul3A : vector<1x80x128xf32>
    %abs3A = math.absf %sub3A : vector<1x80x128xf32>
    %neg3A = arith.constant 0.000000e+00 : f32
    %neg3A_7 = vector.broadcast %neg3A : f32 to vector<1x80x128xf32>
    %neg3A_8 = arith.subf %neg3A_7, %abs3A : vector<1x80x128xf32>
    %exp3A = math.exp %neg3A_8 : vector<1x80x128xf32>
    %add3A_9 = arith.constant 1.000000e+00 : f32
    %add3A_10 = vector.broadcast %add3A_9 : f32 to vector<1x80x128xf32>
    %add3A_11 = arith.addf %add3A_10, %exp3A : vector<1x80x128xf32>
    %div3A = arith.constant 1.000000e+00 : f32
    %div3A_12 = vector.broadcast %div3A : f32 to vector<1x80x128xf32>
    %div3A_13 = arith.divf %div3A_12, %add3A_11 : vector<1x80x128xf32>
    %gt3A = arith.constant 0.000000e+00 : f32
    %gt3A_14 = vector.broadcast %gt3A : f32 to vector<1x80x128xf32>
    %gt3A_15 = arith.cmpf ogt, %sub3A, %gt3A_14 : vector<1x80x128xf32>
    %mul3A_16 = arith.mulf %exp3A, %div3A_13 : vector<1x80x128xf32>
    %select_n3A = arith.select %gt3A_15, %div3A_13, %mul3A_16 : vector<1x80x128xi1>, vector<1x80x128xf32>
    %max3A = arith.constant 0.000000e+00 : f32
    %max3A_17 = vector.broadcast %max3A : f32 to vector<1x80x128xf32>
    %max3A_18 = arith.maximumf %sub3A, %max3A_17 : vector<1x80x128xf32>
    %log3A = math.log %add3A_11 : vector<1x80x128xf32>
    %add3A_19 = arith.addf %max3A_18, %log3A : vector<1x80x128xf32>
    %mul3A_20 = arith.constant 5.000000e-01 : f32
    %mul3A_21 = vector.broadcast %mul3A_20 : f32 to vector<1x80x128xf32>
    %mul3A_22 = arith.mulf %mul3A_21, %get3A_6 : vector<1x80x128xf32>
    %sub3A_23 = arith.constant 7.500000e-01 : f32
    %sub3A_24 = vector.broadcast %sub3A_23 : f32 to vector<1x80x128xf32>
    %sub3A_25 = arith.subf %sub3A_24, %mul3A_22 : vector<1x80x128xf32>
    %mul3A_26 = arith.mulf %sub3A_25, %add3A_19 : vector<1x80x128xf32>
    %mul3A_27 = arith.mulf %select_n3A, %select_n3A : vector<1x80x128xf32>
    %mul3A_28 = arith.mulf %mul3A_26, %mul3A_27 : vector<1x80x128xf32>
    %swap3A = arith.constant 0 : index
    %swap3A_29 = arith.constant 0 : index
    %swap3A_30 = arith.constant 0 : index
    %swap3A_31 = vector.load %arg3[%swap3A, %swap3A_29, %swap3A_30] : memref<1x80x128xf32, #tpu.memory_space<vmem>>, vector<1x80x128xf32>
    tpu.vector_store %arg3[%swap3A, %swap3A_29, %swap3A_30], %mul3A_28 {strides = array<i32>} : memref<1x80x128xf32, #tpu.memory_space<vmem>>, vector<1x80x128xf32>,
    return
  }
  func.func @transform_0(%arg0: i32) -> (i32, i32, i32) {
    %c3_i32 = arith.constant 3 : i32
    %c0_i32 = arith.constant 0 : i32
    %c781_i32 = arith.constant 781 : i32
    %c0_i32_0 = arith.constant 0 : i32
    return %c3_i32, %c0_i32, %c781_i32 : i32, i32, i32
  }
  func.func @transform_1(%arg0: i32) -> (i32, i32, i32) {
    %c3_i32 = arith.constant 3 : i32
    %c0_i32 = arith.constant 0 : i32
    %c781_i32 = arith.constant 781 : i32
    %c0_i32_0 = arith.constant 0 : i32
    return %c3_i32, %c0_i32, %c781_i32 : i32, i32, i32
  }
  func.func @transform_2(%arg0: i32) -> (i32, i32, i32) {
    %c0_i32 = arith.constant 0 : i32
    %c0_i32_0 = arith.constant 0 : i32
    %c0_i32_1 = arith.constant 0 : i32
    %c0_i32_2 = arith.constant 0 : i32
    return %c0_i32, %c0_i32_0, %c0_i32_1 : i32, i32, i32
  }
}

</mosaic_0001>

<sc_bundles>
// kernel: kernel.5.cloned.1.call-start
scs
__scs_entry_jumppad:
0x0: {  	(pc) =	sbr.rel $0x88, $3  }
0x1: {  	(tag) =	ssettag $0x0;
	lr =	simm.s32 $0x1  }
0x2: {  	[smem:$0x3F9F] =	sst lr;
	_ =	strace $0xD0000000  }
0x3: {  	_ = 	snop  }
0x4: {  	_ = 	snop  }
0x5: {  	_ = 	snop  }
0x6: {  	_ = 	snop  }
0x7: {  	_ = 	snop  }
__scs_overlays_trampoline_lowered:
0x8: {  	[smem:$0x3FAE] =	sst s0  }
0x9: {  	[smem:$0x3FAF] =	sst s1  }
0xa: {  	[smem:$0x3FB0] =	sst s2  }
0xb: {  	[smem:$0x3FB1] =	sst s3  }
0xc: {  	[smem:$0x3FB2] =	sst s4  }
0xd: {  	[smem:$0x3FB3] =	sst s5  }
0xe: {  	[smem:$0x3FB4] =	sst s6  }
0xf: {  	[smem:$0x3FB5] =	sst s7  }
0x10: {  	[smem:$0x3FB6] =	sst s8  }
0x11: {  	[smem:$0x3FB7] =	sst s9;
	s0 =	simm.s32 @!p0 $0x0  }
0x12: {  	s1 =	sld [smem:$0x3F9D];
	s0 =	simm.s32 @p0 $0x1  }
0x13: {  	[smem:$0x3FB8] =	sst s0;
	s0 =	simm.s32 @!p1 $0x0  }
0x14: {  	s2 =	sld [smem:$0x3F9C];
	s0 =	simm.s32 @p1 $0x1  }
0x15: {  	[smem:$0x3FB9] =	sst s0;
	s0 =	simm.s32 @!p2 $0x0  }
0x16: {  	s3 =	sld [smem:$0x3FDB];
	s0 =	simm.s32 @p2 $0x1  }
0x17: {  	s4 =	simm.s32 $0x1BF5;
	[smem:$0x3FBB] =	sst s0  }
0x18: {  	s0 =	sld [smem:$0x3F9E];
	_ =	swait.ge [sflag:s4], $0x0  }
0x19: {  	s7 =	sld [smem:$0x3F9F]  }
0x1a: {  	s8 =	sadd.s32 $0xFFFFE003, lr  }
0x1b: {  	s9 =	sadd.s32 $0xFFFFFEF7, lr;
	s5 =	simm.s32 $0xFFFFFFFF;
	p2 =	slt.u32 s8, $0xFFFFF086  }
0x1c: {  	p1 =	slt.u32 s9, $0xF7A;
	s5 =	simm.s32 @!p2 $0x0  }
0x1d: {  	s5 =	simm.s32 @p1 $0x1;
	p0 =	seq.s32 s7, s2  }
0x1e: {  	s7 =	smul.u32 @!p0 $0xF7A, s2;
	p2 =	seq.s32 @!p0 s5, $0x0  }
0x1f: {  	s9 =	smul.u32 $0xF7A, s1;
	s8 =	simm.s32 @!p0 $0x1BF5;
	p2 =	por !p2, p0  }
0x20: {  	[sflag:s8] =	ssyncset.s32 @!p0 $0xFFFFF086;
	s6 =	sadd.s32 @!p0 s3, s7;
	s7 =	simm.s32 @!p0 $0x108  }
0x21: {  	s3 =	sadd.s32 s3, s9;
	s6 =	sadd.s32 @!p0 $0x88, s6;
	s7 =	simm.s32 @p2 $0x1082  }
0x22: {  	[simem:s7], [sflag:s8] =	dma.local @!p0 [hbm:s6], $0xF7A  }
0x23: {  	s9 =	sor.u32 $0xD0000000, s2;
	s6 =	simm.s32 $0x108;
	_ =	swait.ge @!p0 [sflag:s8], $0x0  }
0x24: {  	s3 =	sadd.s32 $0x88, s3;
	s6 =	simm.s32 @!p1 $0x1082;
	[sflag:s4] =	ssyncset.s32 $0xFFFFF086  }
0x25: {  	[simem:s6], [sflag:s4] =	dma.local [hbm:s3], $0xF7A  }
0x26: {  	[smem:$0x3F9F] =	sst s1;
	(tag) =	ssettag s2;
	_ =	strace s9  }
0x27: {  	s1 =	sld [smem:$0x3FAF]  }
0x28: {  	s2 =	sld [smem:$0x3FB0]  }
0x29: {  	s4 =	sld [smem:$0x3FB2]  }
0x2a: {  	p0 =	seq.s32 s5, $0x0;
	s5 =	sld [smem:$0x3FB3]  }
0x2b: {  	s6 =	sld [smem:$0x3FB4]  }
0x2c: {  	s7 =	sld [smem:$0x3FB5]  }
0x2d: {  	s3 =	simm.s32 $0x108;
	s8 =	sld [smem:$0x3FB6]  }
0x2e: {  	s3 =	simm.s32 @!p0 $0x1082;
	s9 =	sld [smem:$0x3FB7]  }
0x2f: {  	lr =	sadd.s32 s0, s3;
	s0 =	sld [smem:$0x3FAE]  }
0x30: {  	s3 =	sld [smem:$0x3FB1]  }
0x31: {  	[smem:$0x3FBA] =	sst s10  }
0x32: {  	s10 =	sld [smem:$0x3FB8];
	_ =	sdelay $0x3  }
0x33: {  	p0 =	seq.s32 s10, $0x1;
	s10 =	sld [smem:$0x3FBA];
	_ =	sdelay $0x3  }
0x34: {  	[smem:$0x3FBA] =	sst s10  }
0x35: {  	s10 =	sld [smem:$0x3FB9];
	_ =	sdelay $0x3  }
0x36: {  	p1 =	seq.s32 s10, $0x1;
	s10 =	sld [smem:$0x3FBA];
	_ =	sdelay $0x3  }
0x37: {  	[smem:$0x3FBA] =	sst s10  }
0x38: {  	s10 =	sld [smem:$0x3FBB]  }
0x39: {  	_ = 	snop;
	(pc) =	sbr.ind lr, $3  }
0x3a: {  	_ = 	snop  }
0x3b: {  	_ = 	snop  }
0x3c: {  	p2 =	seq.s32 s10, $0x1;
	s10 =	sld [smem:$0x3FBA]  }
0x3d: {  	_ =	shalt  }
0x3e: {  	_ =	shalt  }
0x3f: {  	_ =	shalt  }
0x40: {  	_ =	shalt  }
0x41: {  	_ =	shalt  }
0x42: {  	_ =	shalt  }
0x43: {  	_ =	shalt  }
0x44: {  	_ =	shalt  }
0x45: {  	_ =	shalt  }
0x46: {  	_ =	shalt  }
0x47: {  	_ =	shalt  }
0x48: {  	_ =	shalt  }
0x49: {  	_ =	shalt  }
0x4a: {  	_ =	shalt  }
0x4b: {  	_ =	shalt  }
0x4c: {  	_ =	shalt  }
0x4d: {  	_ =	shalt  }
0x4e: {  	_ =	shalt  }
0x4f: {  	_ =	shalt  }
0x50: {  	_ =	shalt  }
0x51: {  	_ =	shalt  }
0x52: {  	_ =	shalt  }
0x53: {  	_ =	shalt  }
0x54: {  	_ =	shalt  }
0x55: {  	_ =	shalt  }
0x56: {  	_ =	shalt  }
0x57: {  	_ =	shalt  }
0x58: {  	_ =	shalt  }
0x59: {  	_ =	shalt  }
0x5a: {  	_ =	shalt  }
0x5b: {  	_ =	shalt  }
0x5c: {  	_ =	shalt  }
0x5d: {  	_ =	shalt  }
0x5e: {  	_ =	shalt  }
0x5f: {  	_ =	shalt  }
0x60: {  	_ =	shalt  }
0x61: {  	_ =	shalt  }
0x62: {  	_ =	shalt  }
0x63: {  	_ =	shalt  }
0x64: {  	_ =	shalt  }
0x65: {  	_ =	shalt  }
0x66: {  	_ =	shalt  }
0x67: {  	_ =	shalt  }
0x68: {  	_ =	shalt  }
0x69: {  	_ =	shalt  }
0x6a: {  	_ =	shalt  }
0x6b: {  	_ =	shalt  }
0x6c: {  	_ =	shalt  }
0x6d: {  	_ =	shalt  }
0x6e: {  	_ =	shalt  }
0x6f: {  	_ =	shalt  }
0x70: {  	_ =	shalt  }
0x71: {  	_ =	shalt  }
0x72: {  	_ =	shalt  }
0x73: {  	_ =	shalt  }
0x74: {  	_ =	shalt  }
0x75: {  	_ =	shalt  }
0x76: {  	_ =	shalt  }
0x77: {  	_ =	shalt  }
0x78: {  	_ =	shalt  }
0x79: {  	_ =	shalt  }
0x7a: {  	_ =	shalt  }
0x7b: {  	_ =	shalt  }
0x7c: {  	_ =	shalt  }
0x7d: {  	_ =	shalt  }
0x7e: {  	_ =	shalt  }
0x7f: {  	_ =	shalt  }
0x80: {  	_ =	shalt  }
0x81: {  	_ =	shalt  }
0x82: {  	_ =	shalt  }
0x83: {  	_ =	shalt  }
0x84: {  	_ =	shalt  }
0x85: {  	_ =	shalt  }
0x86: {  	_ =	shalt  }
0x87: {  	_ =	shalt  }
.Lfunc_end0:
.L_simem_size_0:
called_computation_lowered:
.L_overlay_start_0:
0x88: {  	s2 =	sld [smem:$0x3FD9]  }
0x89: {  	s3 =	sld [smem:$0x3FFE];
	_ =	sdelay $0x1  }
0x8a: {  	s1 =	srdreg.scid  }
0x8b: {  	s0 =	sand.u32 $0x1, s1  }
0x8c: {  	s17 =	sshll.u32 s0, $0xA;
	s2 =	sadd.s32 s3, s2  }
0x8d: {  	s2 =	sadd.s32 s2, s17  }
0x8e: {  	[smem:$0x3FC6] =	sst s2  }
0x8f: {  	_ = 	snop  }
0x90: {  	s2 =	sld [smem:$0x3FC9]  }
0x91: {  	s18 =	sld [smem:$0x3FC8];
	(tm) =	ssettm $0x1  }
0x92: {  	s4 =	sld [smem:$0x3FFB];
	_ =	sdelay $0x3  }
0x93: {  	_ =	strace s4  }
0x94: {  	s4 =	sld [smem:$0x3FFC];
	_ =	sdelay $0x3  }
0x95: {  	_ =	strace s4  }
0x96: {  	s4 =	sld [smem:$0x3FFD];
	_ =	sdelay $0x3  }
0x97: {  	_ =	strace s4  }
0x98: {  	_ =	strace $0x8FFFFFFF  }
0x99: {  	s19 =	sld [smem:$0x3FDB];
	_ =	sdelay $0x1  }
0x9a: {  	s5 =	simm.s32 $_scs_section_size  }
0x9b: {  	s6 =	simm.s32 $_size__tile_overlayer_lowered;
	s7 =	simm.s32 $_tile_overlayer_lowered  }
0x9c: {  	s22 =	simm.s32 $0x1BFF;
	s21 =	sshll.u32 s7, $0x1;
	s4 =	sadd.s32 s5, s19  }
0x9d: {  	s8 =	simm.s32 $0x0;
	s20 =	sshll.u32 s6, $0x1;
	s6 =	sadd.s32 s21, s4  }
0x9e: {  	[timem:s8], [sflag:s22] =	dma.local [hbm:s6], s20  }
0x9f: {  	_ =	swait.ge [sflag:s22], s20  }
0xa0: {  	s5 =	ssub.s32 $0x0, s20;
	[sflag:s22] =	ssyncset.done $0x0  }
0xa1: {  	[sflag:s22] =	ssyncadd.s32 s5;
	_ =	sdelay $0x1  }
0xa2: {  	s23 =	simm.s32 $0x1B8B  }
0xa3: {  	_ =	swait.ge [sflag:s23], $0x1  }
0xa4: {  	[sflag:s23] =	ssyncset.done $0x0  }
0xa5: {  	s25 =	simm.s32 $0x1B8E;
	s24 =	sld [smem:$0x3FFE];
	[sflag:s23] =	ssyncadd.s32 $0xFFFFFFFF  }
0xa6: {  	s26 =	simm.s32 $execute0_lowered;
	[smem:$0x3FD2] =	sst s25  }
0xa7: {  	s6 =	sshll.u32 s26, $0x1;
	_ =	strace $0x80000046;
	[dreg:$0x1] =	wrdreg $0xFFFFFFFF  }
0xa8: {  	s28 =	simm.s32 $_size_execute0_lowered;
	s4 =	sadd.s32 s4, s6;
	[dreg:$0x0] =	wrdreg $0x0  }
0xa9: {  	s6 =	sshll.u32 s28, $0x1;
	[dreg:$0x2] =	wrdreg s4  }
0xaa: {  	[dreg:$0x3] =	wrdreg s6  }
0xab: {  	[dreg:$0x4] =	wrdreg $0xC0  }
0xac: {  	_ =	task [dreg:s8], $0x5FFFF  }
0xad: {  	[dreg:$0x1] =	wrdreg $0xFFFFFFFF  }
0xae: {  	[dreg:$0x0] =	wrdreg $0x60  }
0xaf: {  	[dreg:$0x2] =	wrdreg s2  }
0xb0: {  	[dreg:$0x3] =	wrdreg s18  }
0xb1: {  	[dreg:$0x4] =	wrdreg s24  }
0xb2: {  	[dreg:$0x5] =	wrdreg $0x9  }
0xb3: {  	_ =	task.clear_ibuf [dreg:s8], $0x6FFFF;
	_ =	strace $0x90000046  }
0xb4: {  	s29 =	simm.s32 $0x9;
	_ =	strace $0x80000048  }
0xb5: {  	_ =	swait.ge [sflag:s29], $0x1  }
0xb6: {  	[sflag:s29] =	ssyncadd.s32 $0xFFFFFFFF  }
0xb7: {  	_ =	strace $0x90000048  }
0xb8: {  	_ =	sfence  }
0xb9: {  	s30 =	sld [smem:$0x0];
	_ =	sdelay $0x2  }
0xba: {  	s31 =	sshll.u32 s1, $0xD;
	s1 =	sshrl.u32 s1, $0x2  }
0xbb: {  	s3 =	sand.u32 $0x4000, s31;
	s1 =	sadd.s32 s1, s30  }
0xbc: {  	s0 =	sor.u32 s3, s0;
	s1 =	sshll.u32 s1, $0x11  }
0xbd: {  	s0 =	sor.u32 s1, s0  }
0xbe: {  	s0 =	sadd.s32 $0x8F2B, s0  }
0xbf: {  	[sflag:s0] =	ssyncadd.remote.s32 $0x1  }
0xc0: {  	_ =	sfence.sel $0xFFFF  }
0xc1: {  	[dreg:$0x0] =	wrdreg $0xFFFFFFFF;
	(pc) =	sbr.abs _section_cstart, $3  }
0xc2: {  	[dreg:$0x1] =	wrdreg $0xFFFFFFFF  }
0xc3: {  	_ =	task.clear_ibuf [dreg:s8], $0x2FFFF;
	_ =	strace $0x9FFFFFFF  }
0xc4: {  	(tm) =	ssettm $0x7FFFFFFF  }
0xc5: {  	_ =	shalt  }
tec
execute0_lowered:
.L_overlay_start_1:
0x0: {  	(tag) =	ssettag $0x1  }
0x1: {  	s1 =	srdreg.scid;
	s0 =	stileid.u32  }
0x2: {  	s6 =	sand.u32 $0x1, s1;
	s28 =	sshll.u32 s0, $0x1  }
0x3: {  	s15 =	sor.u32 s6, s28  }
0x4: {  	s2 =	smul.u32 $0xAD28, s15;
	_ =	sdelay $0x1  }
0x5: {  	s1 =	smul.u32 $0x18, s15;
	s3 =	sshrl.u32 s2, $0x11  }
0x6: {  	s4 =	smul.u32 $0x47, s3  }
0x7: {  	s8 =	rddreg [dreg:$0x2];
	s12 =	simm.s32 $0x5800;
	s13 =	simm.s32 $0x2  }
0x8: {  	s14 =	simm.s32 $0xDC00;
	p0 =	seq.s32 s0, $0xF;
	s5 =	ssub.s32 s1, s4  }
0x9: {  	s30 =	ssub.s32 $0x2, s6;
	s7 =	smul.u32 $0xC3800, s3;
	s29 =	sand.u32 $0xFFFF, s5  }
0xa: {  	s6 =	sadd.s32 $0x400, s8;
	s31 =	sshrl.u32 s30, $0x1;
	s9 =	smul.u32 $0x2C00, s29  }
0xb: {  	p1 =	sgt.u32 s15, $0x1C;
	s15 =	simm.s32 $0x0;
	s2 =	rddreg [dreg:$0x0]  }
.Ltmp0:
0xc: {  	s3 =	rddreg [dreg:$0x3];
	s7 =	sadd.s32 s7, s9;
	(pc) =	sbr.rel .LBB2_1-.Ltmp0, $4  }
0xd: {  	s4 =	rddreg [dreg:$0x1];
	s5 =	simm.s32 $0x0;
	s7 =	sshrl.u32 s7, $0x3  }
0xe: {  	s11 =	ssub.s32 s30, s31;
	[smem:$0x7FF] =	sst s5;
	s10 =	sadd.s32 $0x2DD200, s7  }
0xf: {  	_ =	strace $0x80000047;
	s9 =	sor.u32 $0x2, s1;
	s7 =	sadd.s32 s2, s10  }
0x10: {  	s8 =	sadd.s32 s4, s10;
	s10 =	smax.u32 s11, $0x1;
	s11 =	simm.s32 $0x1  }
.LBB2_15:
0x11: {  	s16 =	simm.s32 @!p1 $0x3;
	s15 =	sadd.s32 $0x1, s15  }
0x12: {  	_ =	swait.ge @!p1 [sflag:s16], $0x2C00;
	p2 =	sne.s32 s15, s10  }
.Ltmp1:
0x13: {  	[sflag:s16] =	ssyncset.done @!p1 $0x0;
	(pc) =	sbr.rel @!p2 .LBB2_16-.Ltmp1, $4  }
0x14: {  	[sflag:s16] =	ssyncadd.s32 @!p1 $0xFFFFD400;
	s16 =	simm.s32 @!p1 $0x4  }
0x15: {  	_ =	swait.ge @!p1 [sflag:s16], $0x2C00  }
0x16: {  	[sflag:s16] =	ssyncset.done @!p1 $0x0  }
0x17: {  	[sflag:s16] =	ssyncadd.s32 @!p1 $0xFFFFD400  }
.LBB2_1:
.Ltmp2:
0x18: {  	s16 =	simm.s32 @!p0 $0x0;
	(pc) =	sbr.rel .LBB2_2-.Ltmp2, $4  }
0x19: {  	[tilespmem:s16], [sflag:$0x1] =	stream.linear.gather @!p0 [hbm4b:s7+s16], $0x2C00, $0x38;
	[tilespmem:$0x10800] =	vst v63  }
0x1a: {  	s17 =	simm.s32 @!p0 $0x2C00  }
0x1b: {  	[tilespmem:s17], [sflag:$0x1] =	stream.linear.gather @!p0 [hbm4b:s8+s16], $0x2C00, $0x38;
	[tilespmem:$0x10800] =	vst v63  }
0x1c: {  	s16 =	simm.s32 $0x0  }
.LBB2_14:
0x1d: {  	s16 =	sadd.s32 $0x1, s16  }
0x1e: {  	p2 =	sne.s32 s16, $0xC  }
.Ltmp3:
0x1f: {  	_ = 	snop;
	(pc) =	sbr.rel @!p2 .LBB2_15-.Ltmp3, $1  }
0x20: {  	_ =	sdelay $0x3  }
.LBB2_2:
0x21: {  	s19 =	sshll.u32 s16, $0x1  }
0x22: {  	s17 =	sadd.s32 s19, s1  }
0x23: {  	s18 =	sadd.s32 $0x1, s17  }
0x24: {  	s17 =	smulhi.u32 $0xE6C2B449, s18;
	_ =	sdelay $0x1  }
0x25: {  	s17 =	sshrl.u32 s17, $0x6  }
0x26: {  	s20 =	smul.u32 $0x47, s17  }
0x27: {  	p2 =	sgt.u32 s18, $0x2C5  }
0x28: {  	s18 =	ssub.s32 s18, s20;
	s20 =	smul.u32 @!p2 $0xC3800, s17  }
0x29: {  	s21 =	smul.u32 @!p2 $0x2C00, s18;
	_ =	sdelay $0x1  }
0x2a: {  	s20 =	sadd.s32 @!p2 s20, s21  }
0x2b: {  	s20 =	sshrl.u32 @!p2 s20, $0x3  }
0x2c: {  	s20 =	sadd.s32 @!p2 $0x2DD200, s20  }
0x2d: {  	s22 =	simm.s32 @!p2 $0x0;
	s23 =	simm.s32 @!p2 $0x8400;
	s21 =	sadd.s32 @!p2 s2, s20  }
0x2e: {  	[tilespmem:s23], [sflag:$0x2] =	stream.linear.gather @!p2 [hbm4b:s21+s22], $0x2C00, $0x38;
	[tilespmem:$0x10800] =	vst v63  }
0x2f: {  	s20 =	sadd.s32 @!p2 s4, s20;
	s21 =	simm.s32 @!p2 $0xB000  }
0x30: {  	[tilespmem:s21], [sflag:$0x2] =	stream.linear.gather @!p2 [hbm4b:s20+s22], $0x2C00, $0x38;
	[tilespmem:$0x10800] =	vst v63  }
0x31: {  	s21 =	sadd.s32 s1, s19  }
0x32: {  	p3 =	sgt.u32 s21, $0x2C5  }
.Ltmp4:
0x33: {  	_ = 	snop;
	(pc) =	sbr.rel @p3 .LBB2_8-.Ltmp4, $1  }
0x34: {  	_ =	sdelay $0x3  }
0x35: {  	_ =	swait.ge [sflag:s11], $0x2C00  }
0x36: {  	[sflag:s11] =	ssyncset.done $0x0  }
0x37: {  	s20 =	smulhi.u32 $0xE6C2B449, s21;
	[sflag:s11] =	ssyncadd.s32 $0xFFFFD400  }
0x38: {  	_ =	swait.ge [sflag:s11], $0x2C00  }
0x39: {  	p3 =	seq.s32 s16, $0x0;
	s20 =	sshrl.u32 s20, $0x6;
	[sflag:s11] =	ssyncset.done $0x0  }
0x3a: {  	s22 =	simm.s32 @!p3 $0x3;
	s23 =	smul.u32 $0x47, s20;
	[sflag:s11] =	ssyncadd.s32 $0xFFFFD400  }
0x3b: {  	s24 =	simm.s32 $0x2C40;
	_ =	swait.ge @!p3 [sflag:s22], $0x2C00  }
0x3c: {  	s25 =	simm.s32 $0x40;
	s21 =	ssub.s32 s21, s23;
	[sflag:s22] =	ssyncset.done @!p3 $0x0  }
0x3d: {  	s23 =	simm.s32 $0x5840;
	[sflag:s22] =	ssyncadd.s32 @!p3 $0xFFFFD400;
	s22 =	simm.s32 $0x0  }
.LBB2_4:
0x3e: {  	v0 =	vld [tilespmem:s25+$0x0]  }
0x3f: {  	v1 =	vld [tilespmem:s25+$0xFFFFFFE0]  }
0x40: {  	v2 =	vld [tilespmem:s25+$0xFFFFFFD0]  }
0x41: {  	v4 =	vld [tilespmem:s24+$0x0]  }
0x42: {  	v3 =	vld [tilespmem:s24+$0xFFFFFFD0]  }
0x43: {  	v5 =	vld [tilespmem:s24+$0xFFFFFFE0]  }
0x44: {  	v6 =	vld [tilespmem:s24+$0x30]  }
0x45: {  	v7 =	vld [tilespmem:s24+$0x10]  }
0x46: {  	v8 =	vld [tilespmem:s24+$0xFFFFFFC0];
	v10 =	vadd.f32 v4, v4  }
0x47: {  	v9 =	vld [tilespmem:s25+$0x30]  }
0x48: {  	v16 =	vld [tilespmem:s24+$0x20];
	v3 =	vadd.f32 v3, v3;
	v12 =	vmul.f32 v10, v0  }
0x49: {  	v4 =	vld [tilespmem:s25+$0x10];
	v5 =	vadd.f32 v5, v5  }
0x4a: {  	v11 =	vmul.f32 v3, v2;
	v12 =	vsub.f32 v0, v12  }
0x4b: {  	v6 =	vadd.f32 v6, v6;
	v13 =	vadd.f32 v7, v7;
	v7 =	vld [tilespmem:s25+$0xFFFFFFC0];
	v14 =	vmul.f32 v5, v1  }
0x4c: {  	v8 =	vadd.f32 v8, v8;
	v17 =	vsub.f32 v2, v11;
	v15 =	vand.u32 $0x7FFFFFFF, v12  }
0x4d: {  	v0 =	vmul.f32 v6, v9;
	v14 =	vsub.f32 v1, v14;
	v1 =	vld [tilespmem:s25+$0x20];
	v19 =	vsub.f32 $0.0e+00, v15  }
0x4e: {  	v21 =	vadd.f32 v16, v16;
	v11 =	vmul.f32 v13, v4;
	v2 =	vand.u32 $0x7FFFFFFF, v17  }
0x4f: {  	v18 =	vld [tilespmem:s24+$0xFFFFFFF0];
	v15 =	vsub.f32 v9, v0;
	v0 =	vand.u32 $0x7FFFFFFF, v14;
	v19 =	vmul.f32 $1.442695020e+00, v19  }
0x50: {  	v9 =	vmul.f32 v8, v7;
	v20 =	vsub.f32 $0.0e+00, v2;
	v16 =	vsub.f32 v4, v11  }
0x51: {  	v22 =	vld [tilespmem:s25+$0xFFFFFFF0];
	v0 =	vsub.f32 $0.0e+00, v0;
	v23 =	vand.u32 $0x7FFFFFFF, v15;
	(erf) = vpow2.f32 v19  }
0x52: {  	v2 =	vsub.f32 v7, v9;
	v7 =	vmul.f32 $1.442695020e+00, v20;
	v4 =	vmul.f32 v21, v1  }
0x53: {  	v0 =	vmul.f32 $1.442695020e+00, v0;
	v11 =	vsub.f32 $0.0e+00, v23  }
0x54: {  	v9 =	vadd.f32 v18, v18;
	v4 =	vsub.f32 v1, v4;
	(erf) = vpow2.f32 v7  }
0x55: {  	v7 =	vand.u32 $0x7FFFFFFF, v2;
	v11 =	vmul.f32 $1.442695020e+00, v11;
	(erf) = vpow2.f32 v0  }
0x56: {  	v0 =	vmul.f32 v9, v22;
	v1 =	vsub.f32 $0.0e+00, v7  }
0x57: {  	v19 =	vand.u32 $0x7FFFFFFF, v4;
	(erf) = vpow2.f32 v11  }
0x58: {  	v7 =	vsub.f32 v22, v0;
	v0 =	vmul.f32 $1.442695020e+00, v1;
	v1 =	vsub.f32 $0.0e+00, v19  }
0x59: {  	v20 =	vmul.f32 $2.500000000e-01, v21  }
0x5a: {  	v22 =	vmul.f32 $2.500000000e-01, v9;
	v19 =	vmul.f32 $1.442695020e+00, v1;
	v9 =	vpop (erf)  }
0x5b: {  	v18 =	vand.u32 $0x7FFFFFFF, v16;
	v21 =	vmul.f32 $2.500000000e-01, v3;
	v3 =	vadd.f32 $1.000000000e+00, v9  }
0x5c: {  	v5 =	vmul.f32 $2.500000000e-01, v5;
	v18 =	vsub.f32 $0.0e+00, v18;
	v11 =	vmul.f32 $2.500000000e-01, v13  }
0x5d: {  	(erf) = vpow2.f32 v0;
	v0 =	vsub.f32 $7.500000000e-01, v20;
	v20 =	vpop (erf);
	v24 =	vadd.f32 $1.000000000e+00, v3  }
0x5e: {  	v1 =	vsub.f32 $7.500000000e-01, v11;
	(erf) = vpow2.f32 v19;
	v11 =	vadd.f32 $1.000000000e+00, v20;
	v19 =	vpop (erf)  }
0x5f: {  	v13 =	vand.u32 $0x7FFFFFFF, v7;
	v23 =	vadd.f32 $1.000000000e+00, v19;
	(erf) = vrcp.f32 v3  }
0x60: {  	v3 =	vmul.f32 $1.442695020e+00, v18;
	v18 =	vadd.f32 $1.000000000e+00, v11;
	(erf) = vrcp.f32 v11  }
0x61: {  	v13 =	vsub.f32 $0.0e+00, v13;
	v11 =	vadd.f32 $1.000000000e+00, v23;
	(erf) = vrcp.f32 v24;
	v24 =	vpop (erf)  }
0x62: {  	v8 =	vmul.f32 $2.500000000e-01, v8;
	(erf) = vrcp.f32 v18;
	v18 =	vadd.f32 $1.000000000e+00, v24  }
0x63: {  	v25 =	vsub.f32 $7.500000000e-01, v5;
	(erf) = vrcp.f32 v11;
	v11 =	vmul.f32 $1.442695020e+00, v13  }
0x64: {  	v5 =	vsub.f32 $7.500000000e-01, v8;
	v8 =	vadd.f32 $1.000000000e+00, v18  }
0x65: {  	(erf) = vrcp.f32 v23  }
0x66: {  	v32 =	vpop (erf);
	(erf) = vpow2.f32 v3  }
0x67: {  	v10 =	vmul.f32 $2.500000000e-01, v10;
	(erf) = vpow2.f32 v11;
	v11 =	vpop (erf)  }
0x68: {  	v6 =	vmul.f32 $2.500000000e-01, v6;
	(erf) = vrcp.f32 v8;
	v8 =	vpop (erf)  }
0x69: {  	v27 =	vsub.f32 $7.500000000e-01, v10;
	v26 =	vmax.f32 v17, $0.0e+00;
	v13 =	vmul.f32 v8, v9  }
0x6a: {  	v28 =	vmax.f32 v14, $0.0e+00;
	vm2 =	vgt.f32 v12, $0.0e+00;
	v10 =	vadd.f32 $1.000000000e+00, v11  }
0x6b: {  	v30 =	vmax.f32 v12, $0.0e+00;
	(erf) = vrcp.f32 v18;
	v18 =	vpop (erf);
	v8 =	vsel vm2, v8, v13  }
0x6c: {  	vm1 =	vgt.f32 v17, $0.0e+00;
	v17 =	vadd.f32 $1.000000000e+00, v10;
	v31 =	vmul.f32 v18, v20;
	v12 =	vpop (erf)  }
0x6d: {  	(erf) = vrcp.f32 v10;
	v10 =	vsub.f32 $7.500000000e-01, v21;
	v21 =	vmul.f32 v12, v9;
	v9 =	vpop (erf)  }
0x6e: {  	v13 =	vsel vm1, v18, v31;
	v18 =	vmul.f32 v9, v20;
	v31 =	vmul.f32 v8, v8;
	v8 =	vpop (erf)  }
0x6f: {  	v23 =	vadd.f32 $1.000000000e+00, v32;
	(erf) = vrcp.f32 v17;
	v33 =	vmul.f32 v21, v21;
	v34 =	vpop (erf)  }
0x70: {  	vm1 =	vgt.f32 v14, $0.0e+00;
	v35 =	vmul.f32 v18, v18;
	v20 =	vmul.f32 v8, v19;
	v36 =	vpop (erf)  }
0x71: {  	v38 =	vadd.f32 v18, v18;
	v8 =	vsub.f32 $7.500000000e-01, v22;
	v22 =	vmul.f32 $2.000000030e-01, v33;
	v12 =	vpop (erf)  }
0x72: {  	v18 =	vmul.f32 v34, v19;
	v14 =	vmul.f32 v20, v20;
	v19 =	vadd.f32 $1.000000000e+00, v12  }
0x73: {  	v17 =	vmul.f32 $2.000000030e-01, v35;
	v37 =	vadd.f32 $1.000000000e+00, v36;
	v22 =	vadd.f32 $3.333333430e-01, v22  }
0x74: {  	v34 =	vsel vm1, v34, v18;
	v39 =	vmul.f32 $2.000000030e-01, v14;
	v18 =	vadd.f32 $1.000000000e+00, v19  }
0x75: {  	v29 =	vadd.f32 $1.000000000e+00, v23;
	v21 =	vadd.f32 v21, v21;
	v22 =	vmul.f32 v22, v33  }
0x76: {  	v60 =	vpop (erf);
	v17 =	vadd.f32 $3.333333430e-01, v17;
	(erf) = vrcp.f32 v37;
	v39 =	vadd.f32 $3.333333430e-01, v39  }
0x77: {  	v33 =	vmul.f32 v60, v24;
	v22 =	vadd.f32 $1.000000000e+00, v22;
	(erf) = vrcp.f32 v18  }
0x78: {  	v14 =	vmul.f32 v39, v14;
	v18 =	vpop (erf);
	(erf) = vrcp.f32 v29  }
0x79: {  	v6 =	vsub.f32 $7.500000000e-01, v6;
	v29 =	vmul.f32 v17, v35;
	v17 =	vmul.f32 v22, v21  }
0x7a: {  	vm0 =	vgt.f32 v2, $0.0e+00;
	v20 =	vadd.f32 v20, v20;
	v61 =	vmul.f32 v33, v33  }
0x7b: {  	v21 =	vadd.f32 $1.000000000e+00, v37;
	v24 =	vmul.f32 v18, v24;
	v14 =	vadd.f32 $1.000000000e+00, v14  }
0x7c: {  	(erf) = vrcp.f32 v23;
	v23 =	vmul.f32 $2.000000030e-01, v61;
	v30 =	vadd.f32 v17, v30  }
0x7d: {  	vm2 =	vgt.f32 v16, $0.0e+00;
	vm1 =	vgt.f32 v15, $0.0e+00;
	v14 =	vmul.f32 v14, v20;
	v17 =	vpop (erf)  }
0x7e: {  	v20 =	vsel vm1, v18, v24;
	(erf) = vrcp.f32 v21;
	v21 =	vmul.f32 v30, v27;
	v18 =	vpop (erf)  }
0x7f: {  	v27 =	vmul.f32 v34, v34;
	v24 =	vadd.f32 v14, v28;
	(erf) = vrcp.f32 v19;
	v19 =	vpop (erf)  }
0x80: {  	v18 =	vmul.f32 v18, v11;
	v14 =	vmul.f32 v21, v31;
	v21 =	vadd.f32 $3.333333430e-01, v23;
	v23 =	vpop (erf)  }
0x81: {  	v24 =	vmul.f32 v24, v25;
	v28 =	vmul.f32 v23, v12;
	v23 =	vadd.f32 $1.000000000e+00, v29  }
0x82: {  	v25 =	vmax.f32 v15, $0.0e+00;
	v29 =	vmul.f32 v19, v36;
	v15 =	vmul.f32 v18, v18  }
0x83: {  	v9 =	vmax.f32 v16, $0.0e+00;
	v30 =	vpop (erf);
	v16 =	vmul.f32 v23, v38;
	v31 =	vmul.f32 v28, v28  }
0x84: {  	v3 =	vmax.f32 v4, $0.0e+00;
	v34 =	vmul.f32 v24, v27;
	v62 =	vmul.f32 v30, v32  }
0x85: {  	v27 =	vsel vm2, v19, v29;
	v19 =	vadd.f32 v16, v26;
	v16 =	vmul.f32 $2.000000030e-01, v31  }
0x86: {  	v22 =	vadd.f32 v33, v33;
	v63 =	vmul.f32 $2.000000030e-01, v15;
	v30 =	vmul.f32 v62, v62;
	v23 =	vpop (erf)  }
0x87: {  	vm1 =	vgt.f32 v7, $0.0e+00;
	v35 =	vmul.f32 v21, v61;
	v24 =	vadd.f32 v62, v62;
	v21 =	vpop (erf)  }
0x88: {  	s28 =	simm.s32 $0x0;
	s29 =	sadd.s32 $0x400, s24;
	v26 =	vadd.f32 $3.333333430e-01, v63;
	v33 =	vmul.f32 $2.000000030e-01, v30;
	v29 =	vmul.f32 v21, v36  }
0x89: {  	s30 =	smov.u32 s23;
	s31 =	smov.u32 s25;
	s26 =	smov.u32 s23;
	[tilespmem:s23+$0xFFFFFFE0] =	vst v34;
	v21 =	vmul.f32 v23, v32;
	v34 =	vadd.f32 $3.333333430e-01, v16;
	v32 =	vadd.f32 $1.000000000e+00, v35;
	v16 =	vpop (erf)  }
.LBB2_5:
0x8a: {  	v35 =	vld [tilespmem:s29+$0xFFFFFFC0];
	s28 =	sadd.s32 $0x80, s28;
	v33 =	vadd.f32 $3.333333430e-01, v33;
	v7 =	vmax.f32 v7, $0.0e+00;
	v36 =	vmul.f32 v17, v11;
	s30 =	sadd.s32 $0x400, s30;
	s31 =	sadd.s32 $0x400, s31  }
0x8b: {  	vm2 =	vgt.f32 v4, $0.0e+00;
	v37 =	vld [tilespmem:s31+$0x0];
	p3 =	slt.u32 s28, $0x500;
	v11 =	vmul.f32 v34, v31;
	v31 =	vmul.f32 v29, v29  }
0x8c: {  	v28 =	vadd.f32 v28, v28;
	v22 =	vmul.f32 v32, v22;
	v4 =	vld [tilespmem:s31+$0x20];
	v30 =	vmul.f32 v33, v30  }
0x8d: {  	v13 =	vmul.f32 v13, v13;
	v32 =	vld [tilespmem:s31+$0xFFFFFFE0];
	v33 =	vadd.f32 $1.000000000e+00, v11;
	v34 =	vmul.f32 $2.000000030e-01, v31  }
0x8e: {  	v20 =	vmul.f32 v20, v20;
	v22 =	vadd.f32 v22, v25;
	v38 =	vld [tilespmem:s31+$0x10];
	v30 =	vadd.f32 $1.000000000e+00, v30  }
0x8f: {  	v11 =	vadd.f32 v35, v35;
	v25 =	vld [tilespmem:s31+$0xFFFFFFD0];
	v28 =	vmul.f32 v33, v28;
	v33 =	vadd.f32 $3.333333430e-01, v34  }
0x90: {  	v27 =	vmul.f32 v27, v27;
	v17 =	vsel vm2, v17, v36;
	v6 =	vmul.f32 v22, v6;
	v34 =	vld [tilespmem:s31+$0x30]  }
0x91: {  	v2 =	vmax.f32 v2, $0.0e+00;
	v17 =	vmul.f32 v17, v17;
	v22 =	vld [tilespmem:s29+$0x30];
	v31 =	vmul.f32 v33, v31  }
0x92: {  	v10 =	vmul.f32 v19, v10;
	v19 =	vadd.f32 v29, v29;
	v24 =	vmul.f32 v30, v24;
	v33 =	vld [tilespmem:s29+$0x10]  }
0x93: {  	v21 =	vsel vm0, v23, v21;
	v6 =	vmul.f32 v6, v20;
	v29 =	vld [tilespmem:s29+$0xFFFFFFD0];
	v23 =	vadd.f32 $1.000000000e+00, v31  }
0x94: {  	v12 =	vmul.f32 v16, v12;
	v15 =	vmul.f32 v26, v15;
	v7 =	vadd.f32 v28, v7;
	v20 =	vld [tilespmem:s29+$0x0]  }
0x95: {  	v18 =	vadd.f32 v18, v18;
	v21 =	vmul.f32 v21, v21;
	v26 =	vld [tilespmem:s29+$0xFFFFFFE0];
	v19 =	vmul.f32 v23, v19;
	[tilespmem:s26+$0x30] =	vst v6  }
0x96: {  	v10 =	vmul.f32 v10, v13;
	v2 =	vadd.f32 v24, v2;
	v6 =	vld [tilespmem:s29+$0x20];
	v22 =	vadd.f32 v22, v22  }
0x97: {  	v12 =	vsel vm1, v16, v12;
	v13 =	vld [tilespmem:s29+$0xFFFFFFF0];
	v23 =	vadd.f32 v33, v33;
	v16 =	vadd.f32 v19, v9  }
0x98: {  	v12 =	vmul.f32 v12, v12;
	v19 =	vld [tilespmem:s31+$0xFFFFFFC0];
	v24 =	vadd.f32 v29, v29;
	v28 =	vmul.f32 v22, v34  }
0x99: {  	v7 =	vmul.f32 v7, v8;
	v20 =	vadd.f32 v20, v20;
	v29 =	vmul.f32 v23, v38  }
0x9a: {  	v2 =	vmul.f32 v2, v5;
	v8 =	vmul.f32 v24, v25;
	v26 =	vadd.f32 v26, v26;
	[tilespmem:s26+$0x0] =	vst v14  }
0x9b: {  	v14 =	vadd.f32 $1.000000000e+00, v15;
	v5 =	vmul.f32 v20, v37;
	v6 =	vadd.f32 v6, v6;
	[tilespmem:s26+$0xFFFFFFD0] =	vst v10  }
0x9c: {  	v7 =	vmul.f32 v7, v12;
	v9 =	vsub.f32 v25, v8;
	v25 =	vmul.f32 $2.500000000e-01, v26;
	v30 =	vld [tilespmem:s31+$0xFFFFFFF0]  }
0x9d: {  	v2 =	vmul.f32 v2, v21;
	v8 =	vmul.f32 v26, v32;
	v10 =	vsub.f32 v37, v5  }
0x9e: {  	v1 =	vmul.f32 v16, v1;
	v5 =	vmul.f32 v11, v19;
	v12 =	vand.u32 $0x7FFFFFFF, v9;
	[tilespmem:s26+$0xFFFFFFF0] =	vst v7  }
0x9f: {  	v8 =	vsub.f32 v32, v8;
	v7 =	vand.u32 $0x7FFFFFFF, v10;
	[tilespmem:s26+$0xFFFFFFC0] =	vst v2;
	v2 =	vmul.f32 v14, v18  }
0xa0: {  	v15 =	vsub.f32 v34, v28;
	v1 =	vmul.f32 v1, v27;
	v7 =	vsub.f32 $0.0e+00, v7  }
0xa1: {  	v12 =	vsub.f32 $0.0e+00, v12;
	v14 =	vand.u32 $0x7FFFFFFF, v8;
	v3 =	vadd.f32 v2, v3  }
0xa2: {  	v18 =	vand.u32 $0x7FFFFFFF, v15;
	v14 =	vsub.f32 $0.0e+00, v14;
	v7 =	vmul.f32 $1.442695020e+00, v7;
	[tilespmem:s26+$0x10] =	vst v1  }
0xa3: {  	v16 =	vsub.f32 v38, v29;
	v2 =	vsub.f32 v19, v5;
	v1 =	vmul.f32 $1.442695020e+00, v12  }
0xa4: {  	v12 =	vadd.f32 v13, v13;
	v5 =	vmul.f32 $1.442695020e+00, v14;
	v0 =	vmul.f32 v3, v0  }
0xa5: {  	v13 =	vmul.f32 v6, v4;
	v3 =	vand.u32 $0x7FFFFFFF, v16;
	(erf) = vpow2.f32 v7  }
0xa6: {  	v14 =	vsub.f32 $0.0e+00, v18;
	v7 =	vmul.f32 v12, v30;
	(erf) = vpow2.f32 v1  }
0xa7: {  	v4 =	vsub.f32 v4, v13;
	v1 =	vand.u32 $0x7FFFFFFF, v2;
	(erf) = vpow2.f32 v5  }
0xa8: {  	v3 =	vsub.f32 $0.0e+00, v3;
	v1 =	vsub.f32 $0.0e+00, v1;
	v5 =	vmul.f32 $1.442695020e+00, v14  }
0xa9: {  	v0 =	vmul.f32 v0, v17;
	v13 =	vand.u32 $0x7FFFFFFF, v4;
	v7 =	vsub.f32 v30, v7  }
0xaa: {  	v14 =	vmul.f32 $1.442695020e+00, v1;
	v1 =	vsub.f32 $0.0e+00, v13;
	(erf) = vpow2.f32 v5  }
0xab: {  	v19 =	vmul.f32 $2.500000000e-01, v23;
	v17 =	vmul.f32 $2.500000000e-01, v22;
	v5 =	vand.u32 $0x7FFFFFFF, v7;
	[tilespmem:s26+$0x20] =	vst v0;
	s26 =	smov.u32 s30  }
0xac: {  	v5 =	vsub.f32 $0.0e+00, v5;
	v18 =	vmul.f32 $1.442695020e+00, v1;
	v0 =	vmul.f32 $2.500000000e-01, v6  }
0xad: {  	v22 =	vmul.f32 $2.500000000e-01, v24;
	v12 =	vmul.f32 $2.500000000e-01, v12;
	v1 =	vsub.f32 $7.500000000e-01, v19  }
0xae: {  	v6 =	vsub.f32 $7.500000000e-01, v17;
	v0 =	vsub.f32 $7.500000000e-01, v0;
	(erf) = vpow2.f32 v14;
	v13 =	vpop (erf)  }
0xaf: {  	vm0 =	vgt.f32 v2, $0.0e+00;
	v14 =	vadd.f32 $1.000000000e+00, v13;
	v17 =	vpop (erf);
	(erf) = vpow2.f32 v18  }
0xb0: {  	v3 =	vmul.f32 $1.442695020e+00, v3;
	v19 =	vmax.f32 v9, $0.0e+00;
	v18 =	vadd.f32 $1.000000000e+00, v17;
	v23 =	vpop (erf)  }
0xb1: {  	v21 =	vadd.f32 $1.000000000e+00, v23;
	v26 =	vadd.f32 $1.000000000e+00, v14;
	(erf) = vrcp.f32 v14  }
0xb2: {  	v20 =	vmul.f32 $2.500000000e-01, v20;
	v14 =	vadd.f32 $1.000000000e+00, v18;
	(erf) = vrcp.f32 v18  }
0xb3: {  	v11 =	vmul.f32 $2.500000000e-01, v11;
	v18 =	vadd.f32 $1.000000000e+00, v21;
	(erf) = vrcp.f32 v26;
	v24 =	vpop (erf)  }
0xb4: {  	v25 =	vsub.f32 $7.500000000e-01, v25;
	v26 =	vmul.f32 $1.442695020e+00, v5;
	(erf) = vrcp.f32 v14  }
0xb5: {  	v14 =	vsub.f32 $7.500000000e-01, v20;
	v20 =	vadd.f32 $1.000000000e+00, v24;
	(erf) = vrcp.f32 v18  }
0xb6: {  	(erf) = vrcp.f32 v21  }
0xb7: {  	v5 =	vsub.f32 $7.500000000e-01, v11;
	v18 =	vadd.f32 $1.000000000e+00, v20;
	v21 =	vpop (erf);
	(erf) = vpow2.f32 v3  }
0xb8: {  	v3 =	vmax.f32 v4, $0.0e+00;
	v27 =	vadd.f32 $1.000000000e+00, v21;
	(erf) = vpow2.f32 v26;
	v11 =	vpop (erf)  }
0xb9: {  	v26 =	vmax.f32 v8, $0.0e+00;
	v28 =	vadd.f32 $1.000000000e+00, v11;
	(erf) = vrcp.f32 v18  }
0xba: {  	v29 =	vmax.f32 v10, $0.0e+00;
	v18 =	vadd.f32 $1.000000000e+00, v27;
	v30 =	vpop (erf);
	(erf) = vrcp.f32 v20  }
0xbb: {  	vm1 =	vgt.f32 v9, $0.0e+00;
	v32 =	vmul.f32 v30, v13;
	v20 =	vadd.f32 $1.000000000e+00, v28;
	v31 =	vpop (erf)  }
0xbc: {  	vm2 =	vgt.f32 v10, $0.0e+00;
	v34 =	vmul.f32 v31, v17;
	v33 =	vpop (erf);
	(erf) = vrcp.f32 v28  }
0xbd: {  	v10 =	vsub.f32 $7.500000000e-01, v22;
	v30 =	vsel vm2, v30, v32;
	v22 =	vmul.f32 v33, v13;
	v28 =	vpop (erf)  }
0xbe: {  	v13 =	vsel vm1, v31, v34;
	v17 =	vmul.f32 v28, v17;
	v28 =	vmul.f32 v30, v30;
	v9 =	vpop (erf)  }
0xbf: {  	v30 =	vmul.f32 v9, v23;
	v31 =	vmul.f32 v22, v22;
	v9 =	vmax.f32 v16, $0.0e+00;
	v32 =	vpop (erf)  }
0xc0: {  	vm1 =	vgt.f32 v8, $0.0e+00;
	v8 =	vsub.f32 $7.500000000e-01, v12;
	v33 =	vmul.f32 v17, v17;
	v34 =	vpop (erf)  }
0xc1: {  	v35 =	vmul.f32 v30, v30;
	v36 =	vmul.f32 $2.000000030e-01, v31;
	v37 =	vadd.f32 $1.000000000e+00, v34;
	v12 =	vpop (erf)  }
0xc2: {  	v38 =	vadd.f32 v17, v17;
	v43 =	vmul.f32 v32, v23;
	v23 =	vadd.f32 $1.000000000e+00, v12;
	v39 =	vpop (erf)  }
0xc3: {  	v40 =	vmul.f32 $2.000000030e-01, v35;
	v36 =	vadd.f32 $3.333333430e-01, v36;
	(erf) = vrcp.f32 v20;
	v20 =	vpop (erf)  }
0xc4: {  	v41 =	vmul.f32 $2.000000030e-01, v33;
	v32 =	vsel vm1, v32, v43;
	v42 =	vadd.f32 $1.000000000e+00, v23  }
0xc5: {  	v40 =	vadd.f32 $3.333333430e-01, v40;
	v31 =	vmul.f32 v36, v31;
	(erf) = vrcp.f32 v37;
	v17 =	vpop (erf)  }
0xc6: {  	v22 =	vadd.f32 v22, v22;
	v36 =	vadd.f32 $3.333333430e-01, v41;
	(erf) = vrcp.f32 v42  }
0xc7: {  	v39 =	vmul.f32 v39, v24;
	v35 =	vmul.f32 v40, v35;
	v31 =	vadd.f32 $1.000000000e+00, v31  }
0xc8: {  	vm1 =	vgt.f32 v15, $0.0e+00;
	v24 =	vmul.f32 v20, v24;
	(erf) = vrcp.f32 v18  }
0xc9: {  	v33 =	vmul.f32 v36, v33;
	v18 =	vadd.f32 $1.000000000e+00, v35;
	v22 =	vmul.f32 v31, v22  }
0xca: {  	v30 =	vadd.f32 v30, v30;
	v31 =	vadd.f32 $1.000000000e+00, v37;
	v35 =	vmul.f32 v39, v39  }
0xcb: {  	v29 =	vadd.f32 v22, v29;
	v22 =	vadd.f32 v39, v39;
	(erf) = vrcp.f32 v27  }
0xcc: {  	v20 =	vsel vm1, v20, v24;
	v18 =	vmul.f32 v18, v30;
	(erf) = vrcp.f32 v31;
	v24 =	vpop (erf)  }
0xcd: {  	vm1 =	vgt.f32 v7, $0.0e+00;
	v30 =	vmul.f32 $2.000000030e-01, v35;
	v14 =	vmul.f32 v29, v14  }
0xce: {  	v26 =	vadd.f32 v18, v26;
	v18 =	vmul.f32 v24, v11;
	(erf) = vrcp.f32 v23;
	v23 =	vpop (erf)  }
0xcf: {  	v24 =	vmul.f32 v32, v32;
	v29 =	vadd.f32 $3.333333430e-01, v30;
	v14 =	vmul.f32 v14, v28;
	v27 =	vpop (erf)  }
0xd0: {  	v26 =	vmul.f32 v26, v25;
	v25 =	vmax.f32 v15, $0.0e+00;
	v28 =	vmul.f32 v27, v12  }
0xd1: {  	v30 =	vmul.f32 v23, v34;
	v15 =	vmul.f32 v18, v18;
	v27 =	vadd.f32 $1.000000000e+00, v33;
	v31 =	vpop (erf)  }
0xd2: {  	vm2 =	vgt.f32 v16, $0.0e+00;
	v26 =	vmul.f32 v26, v24;
	v32 =	vmul.f32 v31, v21  }
.Ltmp5:
0xd3: {  	v16 =	vmul.f32 v27, v38;
	v31 =	vmul.f32 v28, v28;
	v27 =	vsel vm2, v23, v30;
	(pc) =	sbr.rel @p3 .LBB2_5-.Ltmp5, $4  }
0xd4: {  	v30 =	vmul.f32 v32, v32;
	v24 =	vadd.f32 v32, v32;
	[tilespmem:s30+$0xFFFFFFE0] =	vst v26;
	v26 =	vmul.f32 $2.000000030e-01, v15;
	v23 =	vpop (erf)  }
0xd5: {  	v19 =	vadd.f32 v16, v19;
	v36 =	vmul.f32 $2.000000030e-01, v31;
	v32 =	vmul.f32 v29, v35;
	v29 =	vpop (erf)  }
0xd6: {  	v33 =	vmul.f32 $2.000000030e-01, v30;
	v29 =	vmul.f32 v29, v34;
	v26 =	vadd.f32 $3.333333430e-01, v26  }
0xd7: {  	s29 =	sadd.s32 $0x400, s29;
	v21 =	vmul.f32 v23, v21;
	v34 =	vadd.f32 $3.333333430e-01, v36;
	v32 =	vadd.f32 $1.000000000e+00, v32;
	v16 =	vpop (erf)  }
0xd8: {  	v33 =	vadd.f32 $3.333333430e-01, v33;
	v53 =	vmul.f32 v29, v29;
	v7 =	vmax.f32 v7, $0.0e+00  }
0xd9: {  	v11 =	vmul.f32 v17, v11;
	vm2 =	vgt.f32 v4, $0.0e+00;
	v13 =	vmul.f32 v13, v13  }
0xda: {  	v28 =	vadd.f32 v28, v28;
	v20 =	vmul.f32 v20, v20;
	v27 =	vmul.f32 v27, v27  }
0xdb: {  	v2 =	vmax.f32 v2, $0.0e+00;
	v10 =	vmul.f32 v19, v10;
	v15 =	vmul.f32 v26, v15  }
0xdc: {  	v59 =	vadd.f32 v29, v29;
	v12 =	vmul.f32 v16, v12;
	v55 =	vmul.f32 $2.000000030e-01, v53  }
0xdd: {  	v18 =	vadd.f32 v18, v18;
	v31 =	vmul.f32 v34, v31;
	v54 =	vmul.f32 v32, v22  }
0xde: {  	v21 =	vsel vm0, v23, v21;
	v30 =	vmul.f32 v33, v30;
	v22 =	vadd.f32 $3.333333430e-01, v55  }
0xdf: {  	v11 =	vsel vm2, v17, v11;
	v15 =	vadd.f32 $1.000000000e+00, v15;
	v60 =	vmul.f32 v21, v21  }
0xe0: {  	v31 =	vadd.f32 $1.000000000e+00, v31;
	v4 =	vadd.f32 v54, v25;
	v57 =	vmul.f32 v22, v53  }
0xe1: {  	v12 =	vsel vm1, v16, v12;
	v56 =	vadd.f32 $1.000000000e+00, v30;
	v15 =	vmul.f32 v15, v18  }
0xe2: {  	v28 =	vmul.f32 v31, v28;
	v4 =	vmul.f32 v4, v6;
	v6 =	vadd.f32 $1.000000000e+00, v57  }
0xe3: {  	v62 =	vmul.f32 v10, v13;
	v58 =	vmul.f32 v56, v24;
	v3 =	vadd.f32 v15, v3  }
0xe4: {  	v11 =	vmul.f32 v11, v11;
	v7 =	vadd.f32 v28, v7;
	v6 =	vmul.f32 v6, v59  }
0xe5: {  	v61 =	vmul.f32 v12, v12;
	v2 =	vadd.f32 v58, v2;
	v0 =	vmul.f32 v3, v0  }
0xe6: {  	[tilespmem:s26+$0x0] =	vst v14;
	s22 =	sadd.s32 $0x1, s22;
	v4 =	vmul.f32 v4, v20;
	v7 =	vmul.f32 v7, v8;
	v6 =	vadd.f32 v6, v9  }
0xe7: {  	p3 =	sne.s32 s22, $0x8;
	[tilespmem:s26+$0xFFFFFFD0] =	vst v62;
	v2 =	vmul.f32 v2, v5;
	v0 =	vmul.f32 v0, v11  }
.Ltmp6:
0xe8: {  	[tilespmem:s26+$0x30] =	vst v4;
	v63 =	vmul.f32 v7, v61;
	v1 =	vmul.f32 v6, v1;
	(pc) =	sbr.rel @p3 .LBB2_4-.Ltmp6, $4  }
0xe9: {  	v2 =	vmul.f32 v2, v60;
	[tilespmem:s26+$0x20] =	vst v0  }
0xea: {  	[tilespmem:s26+$0xFFFFFFF0] =	vst v63;
	v1 =	vmul.f32 v1, v27  }
0xeb: {  	[tilespmem:s26+$0xFFFFFFC0] =	vst v2  }
0xec: {  	s23 =	sadd.s32 $0x80, s23;
	s24 =	sadd.s32 $0x80, s24;
	s25 =	sadd.s32 $0x80, s25;
	[tilespmem:s26+$0x10] =	vst v1  }
0xed: {  	s20 =	smul.u32 $0xC3400, s20  }
0xee: {  	s21 =	smul.u32 $0x2C00, s21;
	_ =	sdelay $0x1  }
0xef: {  	s20 =	sadd.s32 s21, s20  }
0xf0: {  	s20 =	sshrl.u32 s20, $0x3  }
0xf1: {  	s20 =	sadd.s32 s6, s20  }
0xf2: {  	[hbm4b:s20+s5] =	stream.linear.scatter [tilespmem:s12], [sflag:$0x3], $0x2C00, $0x38;
	[tilespmem:$0x10800] =	vst v63  }
.LBB2_8:
0xf3: {  	s19 =	sadd.s32 s19, s9;
	p3 =	seq.s32 s16, $0xB  }
0xf4: {  	p4 =	sgt.u32 @!p3 s19, $0x2C5  }
0xf5: {  	p3 =	por p4, p3  }
0xf6: {  	s20 =	smul.u32 @!p3 $0xE6C3, s19;
	_ =	sdelay $0x1  }
0xf7: {  	s20 =	sshrl.u32 @!p3 s20, $0x16  }
0xf8: {  	s21 =	smul.u32 @!p3 $0x47, s20;
	_ =	sdelay $0x1  }
0xf9: {  	s19 =	ssub.s32 @!p3 s19, s21  }
0xfa: {  	s20 =	smul.u32 @!p3 $0xC3800, s20;
	s19 =	sand.u32 @!p3 $0xFFFF, s19  }
0xfb: {  	s19 =	smul.u32 @!p3 $0x2C00, s19;
	_ =	sdelay $0x1  }
0xfc: {  	s19 =	sadd.s32 @!p3 s20, s19  }
0xfd: {  	s19 =	sshrl.u32 @!p3 s19, $0x3  }
.Ltmp7:
0xfe: {  	s19 =	sadd.s32 @!p3 $0x2DD200, s19;
	(pc) =	sbr.rel @p2 .LBB2_14-.Ltmp7, $4  }
0xff: {  	s21 =	simm.s32 @!p3 $0x0;
	s20 =	sadd.s32 @!p3 s2, s19  }
0x100: {  	[tilespmem:s21], [sflag:$0x1] =	stream.linear.gather @!p3 [hbm4b:s20+s21], $0x2C00, $0x38;
	[tilespmem:$0x10800] =	vst v63  }
0x101: {  	s19 =	sadd.s32 @!p3 s4, s19;
	s20 =	simm.s32 @!p3 $0x2C00  }
0x102: {  	[tilespmem:s20], [sflag:$0x1] =	stream.linear.gather @!p3 [hbm4b:s19+s21], $0x2C00, $0x38;
	[tilespmem:$0x10800] =	vst v63  }
0x103: {  	_ =	swait.ge [sflag:s13], $0x2C00  }
0x104: {  	[sflag:s13] =	ssyncset.done $0x0  }
0x105: {  	[sflag:s13] =	ssyncadd.s32 $0xFFFFD400  }
0x106: {  	_ =	swait.ge [sflag:s13], $0x2C00  }
0x107: {  	p2 =	seq.s32 s16, $0x0;
	[sflag:s13] =	ssyncset.done $0x0  }
0x108: {  	s19 =	simm.s32 @!p2 $0x4;
	[sflag:s13] =	ssyncadd.s32 $0xFFFFD400  }
0x109: {  	_ =	swait.ge @!p2 [sflag:s19], $0x2C00  }
0x10a: {  	s20 =	simm.s32 $0xDC40;
	s21 =	simm.s32 $0xB040;
	[sflag:s19] =	ssyncset.done @!p2 $0x0  }
0x10b: {  	s22 =	simm.s32 $0x8440;
	[sflag:s19] =	ssyncadd.s32 @!p2 $0xFFFFD400;
	s19 =	simm.s32 $0x0  }
.LBB2_10:
0x10c: {  	v0 =	vld [tilespmem:s22+$0x0]  }
0x10d: {  	v1 =	vld [tilespmem:s22+$0xFFFFFFE0]  }
0x10e: {  	v2 =	vld [tilespmem:s22+$0xFFFFFFD0]  }
0x10f: {  	v4 =	vld [tilespmem:s21+$0x0]  }
0x110: {  	v3 =	vld [tilespmem:s21+$0xFFFFFFD0]  }
0x111: {  	v5 =	vld [tilespmem:s21+$0xFFFFFFE0]  }
0x112: {  	v6 =	vld [tilespmem:s21+$0x30]  }
0x113: {  	v7 =	vld [tilespmem:s21+$0x10]  }
0x114: {  	v8 =	vld [tilespmem:s21+$0xFFFFFFC0];
	v10 =	vadd.f32 v4, v4  }
0x115: {  	v9 =	vld [tilespmem:s22+$0x30]  }
0x116: {  	v16 =	vld [tilespmem:s21+$0x20];
	v3 =	vadd.f32 v3, v3;
	v12 =	vmul.f32 v10, v0  }
0x117: {  	v4 =	vld [tilespmem:s22+$0x10];
	v5 =	vadd.f32 v5, v5  }
0x118: {  	v11 =	vmul.f32 v3, v2;
	v12 =	vsub.f32 v0, v12  }
0x119: {  	v6 =	vadd.f32 v6, v6;
	v13 =	vadd.f32 v7, v7;
	v7 =	vld [tilespmem:s22+$0xFFFFFFC0];
	v14 =	vmul.f32 v5, v1  }
0x11a: {  	v8 =	vadd.f32 v8, v8;
	v17 =	vsub.f32 v2, v11;
	v15 =	vand.u32 $0x7FFFFFFF, v12  }
0x11b: {  	v0 =	vmul.f32 v6, v9;
	v14 =	vsub.f32 v1, v14;
	v1 =	vld [tilespmem:s22+$0x20];
	v19 =	vsub.f32 $0.0e+00, v15  }
0x11c: {  	v21 =	vadd.f32 v16, v16;
	v11 =	vmul.f32 v13, v4;
	v2 =	vand.u32 $0x7FFFFFFF, v17  }
0x11d: {  	v18 =	vld [tilespmem:s21+$0xFFFFFFF0];
	v15 =	vsub.f32 v9, v0;
	v0 =	vand.u32 $0x7FFFFFFF, v14;
	v19 =	vmul.f32 $1.442695020e+00, v19  }
0x11e: {  	v9 =	vmul.f32 v8, v7;
	v20 =	vsub.f32 $0.0e+00, v2;
	v16 =	vsub.f32 v4, v11  }
0x11f: {  	v22 =	vld [tilespmem:s22+$0xFFFFFFF0];
	v0 =	vsub.f32 $0.0e+00, v0;
	v23 =	vand.u32 $0x7FFFFFFF, v15;
	(erf) = vpow2.f32 v19  }
0x120: {  	v2 =	vsub.f32 v7, v9;
	v7 =	vmul.f32 $1.442695020e+00, v20;
	v4 =	vmul.f32 v21, v1  }
0x121: {  	v0 =	vmul.f32 $1.442695020e+00, v0;
	v11 =	vsub.f32 $0.0e+00, v23  }
0x122: {  	v9 =	vadd.f32 v18, v18;
	v4 =	vsub.f32 v1, v4;
	(erf) = vpow2.f32 v7  }
0x123: {  	v7 =	vand.u32 $0x7FFFFFFF, v2;
	v11 =	vmul.f32 $1.442695020e+00, v11;
	(erf) = vpow2.f32 v0  }
0x124: {  	v0 =	vmul.f32 v9, v22;
	v1 =	vsub.f32 $0.0e+00, v7  }
0x125: {  	v19 =	vand.u32 $0x7FFFFFFF, v4;
	(erf) = vpow2.f32 v11  }
0x126: {  	v7 =	vsub.f32 v22, v0;
	v0 =	vmul.f32 $1.442695020e+00, v1;
	v1 =	vsub.f32 $0.0e+00, v19  }
0x127: {  	v20 =	vmul.f32 $2.500000000e-01, v21  }
0x128: {  	v22 =	vmul.f32 $2.500000000e-01, v9;
	v19 =	vmul.f32 $1.442695020e+00, v1;
	v9 =	vpop (erf)  }
0x129: {  	v18 =	vand.u32 $0x7FFFFFFF, v16;
	v21 =	vmul.f32 $2.500000000e-01, v3;
	v3 =	vadd.f32 $1.000000000e+00, v9  }
0x12a: {  	v5 =	vmul.f32 $2.500000000e-01, v5;
	v18 =	vsub.f32 $0.0e+00, v18;
	v11 =	vmul.f32 $2.500000000e-01, v13  }
0x12b: {  	(erf) = vpow2.f32 v0;
	v0 =	vsub.f32 $7.500000000e-01, v20;
	v20 =	vpop (erf);
	v24 =	vadd.f32 $1.000000000e+00, v3  }
0x12c: {  	v1 =	vsub.f32 $7.500000000e-01, v11;
	(erf) = vpow2.f32 v19;
	v11 =	vadd.f32 $1.000000000e+00, v20;
	v19 =	vpop (erf)  }
0x12d: {  	v13 =	vand.u32 $0x7FFFFFFF, v7;
	v23 =	vadd.f32 $1.000000000e+00, v19;
	(erf) = vrcp.f32 v3  }
0x12e: {  	v3 =	vmul.f32 $1.442695020e+00, v18;
	v18 =	vadd.f32 $1.000000000e+00, v11;
	(erf) = vrcp.f32 v11  }
0x12f: {  	v13 =	vsub.f32 $0.0e+00, v13;
	v11 =	vadd.f32 $1.000000000e+00, v23;
	(erf) = vrcp.f32 v24;
	v24 =	vpop (erf)  }
0x130: {  	v8 =	vmul.f32 $2.500000000e-01, v8;
	(erf) = vrcp.f32 v18;
	v18 =	vadd.f32 $1.000000000e+00, v24  }
0x131: {  	v25 =	vsub.f32 $7.500000000e-01, v5;
	(erf) = vrcp.f32 v11;
	v11 =	vmul.f32 $1.442695020e+00, v13  }
0x132: {  	v5 =	vsub.f32 $7.500000000e-01, v8;
	v8 =	vadd.f32 $1.000000000e+00, v18  }
0x133: {  	(erf) = vrcp.f32 v23  }
0x134: {  	v32 =	vpop (erf);
	(erf) = vpow2.f32 v3  }
0x135: {  	v10 =	vmul.f32 $2.500000000e-01, v10;
	(erf) = vpow2.f32 v11;
	v11 =	vpop (erf)  }
0x136: {  	v6 =	vmul.f32 $2.500000000e-01, v6;
	(erf) = vrcp.f32 v8;
	v8 =	vpop (erf)  }
0x137: {  	v27 =	vsub.f32 $7.500000000e-01, v10;
	v26 =	vmax.f32 v17, $0.0e+00;
	v13 =	vmul.f32 v8, v9  }
0x138: {  	v28 =	vmax.f32 v14, $0.0e+00;
	vm2 =	vgt.f32 v12, $0.0e+00;
	v10 =	vadd.f32 $1.000000000e+00, v11  }
0x139: {  	v30 =	vmax.f32 v12, $0.0e+00;
	(erf) = vrcp.f32 v18;
	v18 =	vpop (erf);
	v8 =	vsel vm2, v8, v13  }
0x13a: {  	vm1 =	vgt.f32 v17, $0.0e+00;
	v17 =	vadd.f32 $1.000000000e+00, v10;
	v31 =	vmul.f32 v18, v20;
	v12 =	vpop (erf)  }
0x13b: {  	(erf) = vrcp.f32 v10;
	v10 =	vsub.f32 $7.500000000e-01, v21;
	v21 =	vmul.f32 v12, v9;
	v9 =	vpop (erf)  }
0x13c: {  	v13 =	vsel vm1, v18, v31;
	v18 =	vmul.f32 v9, v20;
	v31 =	vmul.f32 v8, v8;
	v8 =	vpop (erf)  }
0x13d: {  	v23 =	vadd.f32 $1.000000000e+00, v32;
	(erf) = vrcp.f32 v17;
	v33 =	vmul.f32 v21, v21;
	v34 =	vpop (erf)  }
0x13e: {  	vm1 =	vgt.f32 v14, $0.0e+00;
	v35 =	vmul.f32 v18, v18;
	v20 =	vmul.f32 v8, v19;
	v36 =	vpop (erf)  }
0x13f: {  	v38 =	vadd.f32 v18, v18;
	v8 =	vsub.f32 $7.500000000e-01, v22;
	v22 =	vmul.f32 $2.000000030e-01, v33;
	v12 =	vpop (erf)  }
0x140: {  	v18 =	vmul.f32 v34, v19;
	v14 =	vmul.f32 v20, v20;
	v19 =	vadd.f32 $1.000000000e+00, v12  }
0x141: {  	v17 =	vmul.f32 $2.000000030e-01, v35;
	v37 =	vadd.f32 $1.000000000e+00, v36;
	v22 =	vadd.f32 $3.333333430e-01, v22  }
0x142: {  	v34 =	vsel vm1, v34, v18;
	v39 =	vmul.f32 $2.000000030e-01, v14;
	v18 =	vadd.f32 $1.000000000e+00, v19  }
0x143: {  	v29 =	vadd.f32 $1.000000000e+00, v23;
	v21 =	vadd.f32 v21, v21;
	v22 =	vmul.f32 v22, v33  }
0x144: {  	v60 =	vpop (erf);
	v17 =	vadd.f32 $3.333333430e-01, v17;
	(erf) = vrcp.f32 v37;
	v39 =	vadd.f32 $3.333333430e-01, v39  }
0x145: {  	v33 =	vmul.f32 v60, v24;
	v22 =	vadd.f32 $1.000000000e+00, v22;
	(erf) = vrcp.f32 v18  }
0x146: {  	v14 =	vmul.f32 v39, v14;
	v18 =	vpop (erf);
	(erf) = vrcp.f32 v29  }
0x147: {  	v6 =	vsub.f32 $7.500000000e-01, v6;
	v29 =	vmul.f32 v17, v35;
	v17 =	vmul.f32 v22, v21  }
0x148: {  	vm0 =	vgt.f32 v2, $0.0e+00;
	v20 =	vadd.f32 v20, v20;
	v61 =	vmul.f32 v33, v33  }
0x149: {  	v21 =	vadd.f32 $1.000000000e+00, v37;
	v24 =	vmul.f32 v18, v24;
	v14 =	vadd.f32 $1.000000000e+00, v14  }
0x14a: {  	(erf) = vrcp.f32 v23;
	v23 =	vmul.f32 $2.000000030e-01, v61;
	v30 =	vadd.f32 v17, v30  }
0x14b: {  	vm2 =	vgt.f32 v16, $0.0e+00;
	vm1 =	vgt.f32 v15, $0.0e+00;
	v14 =	vmul.f32 v14, v20;
	v17 =	vpop (erf)  }
0x14c: {  	v20 =	vsel vm1, v18, v24;
	(erf) = vrcp.f32 v21;
	v21 =	vmul.f32 v30, v27;
	v18 =	vpop (erf)  }
0x14d: {  	v27 =	vmul.f32 v34, v34;
	v24 =	vadd.f32 v14, v28;
	(erf) = vrcp.f32 v19;
	v19 =	vpop (erf)  }
0x14e: {  	v18 =	vmul.f32 v18, v11;
	v14 =	vmul.f32 v21, v31;
	v21 =	vadd.f32 $3.333333430e-01, v23;
	v23 =	vpop (erf)  }
0x14f: {  	v24 =	vmul.f32 v24, v25;
	v28 =	vmul.f32 v23, v12;
	v23 =	vadd.f32 $1.000000000e+00, v29  }
0x150: {  	v25 =	vmax.f32 v15, $0.0e+00;
	v29 =	vmul.f32 v19, v36;
	v15 =	vmul.f32 v18, v18  }
0x151: {  	v9 =	vmax.f32 v16, $0.0e+00;
	v30 =	vpop (erf);
	v16 =	vmul.f32 v23, v38;
	v31 =	vmul.f32 v28, v28  }
0x152: {  	v3 =	vmax.f32 v4, $0.0e+00;
	v34 =	vmul.f32 v24, v27;
	v62 =	vmul.f32 v30, v32  }
0x153: {  	v27 =	vsel vm2, v19, v29;
	v19 =	vadd.f32 v16, v26;
	v16 =	vmul.f32 $2.000000030e-01, v31  }
0x154: {  	v22 =	vadd.f32 v33, v33;
	v63 =	vmul.f32 $2.000000030e-01, v15;
	v30 =	vmul.f32 v62, v62;
	v23 =	vpop (erf)  }
0x155: {  	vm1 =	vgt.f32 v7, $0.0e+00;
	v35 =	vmul.f32 v21, v61;
	v24 =	vadd.f32 v62, v62;
	v21 =	vpop (erf)  }
0x156: {  	s24 =	simm.s32 $0x0;
	s25 =	sadd.s32 $0x400, s21;
	v26 =	vadd.f32 $3.333333430e-01, v63;
	v33 =	vmul.f32 $2.000000030e-01, v30;
	v29 =	vmul.f32 v21, v36  }
0x157: {  	s26 =	smov.u32 s20;
	s28 =	smov.u32 s22;
	s23 =	smov.u32 s20;
	[tilespmem:s20+$0xFFFFFFE0] =	vst v34;
	v21 =	vmul.f32 v23, v32;
	v34 =	vadd.f32 $3.333333430e-01, v16;
	v32 =	vadd.f32 $1.000000000e+00, v35;
	v16 =	vpop (erf)  }
.LBB2_11:
0x158: {  	v35 =	vld [tilespmem:s25+$0xFFFFFFC0];
	s24 =	sadd.s32 $0x80, s24;
	v33 =	vadd.f32 $3.333333430e-01, v33;
	v7 =	vmax.f32 v7, $0.0e+00;
	v36 =	vmul.f32 v17, v11;
	s26 =	sadd.s32 $0x400, s26;
	s28 =	sadd.s32 $0x400, s28  }
0x159: {  	vm2 =	vgt.f32 v4, $0.0e+00;
	v37 =	vld [tilespmem:s28+$0x0];
	p2 =	slt.u32 s24, $0x500;
	v11 =	vmul.f32 v34, v31;
	v31 =	vmul.f32 v29, v29  }
0x15a: {  	v28 =	vadd.f32 v28, v28;
	v22 =	vmul.f32 v32, v22;
	v4 =	vld [tilespmem:s28+$0x20];
	v30 =	vmul.f32 v33, v30  }
0x15b: {  	v13 =	vmul.f32 v13, v13;
	v32 =	vld [tilespmem:s28+$0xFFFFFFE0];
	v33 =	vadd.f32 $1.000000000e+00, v11;
	v34 =	vmul.f32 $2.000000030e-01, v31  }
0x15c: {  	v20 =	vmul.f32 v20, v20;
	v22 =	vadd.f32 v22, v25;
	v38 =	vld [tilespmem:s28+$0x10];
	v30 =	vadd.f32 $1.000000000e+00, v30  }
0x15d: {  	v11 =	vadd.f32 v35, v35;
	v25 =	vld [tilespmem:s28+$0xFFFFFFD0];
	v28 =	vmul.f32 v33, v28;
	v33 =	vadd.f32 $3.333333430e-01, v34  }
0x15e: {  	v27 =	vmul.f32 v27, v27;
	v17 =	vsel vm2, v17, v36;
	v6 =	vmul.f32 v22, v6;
	v34 =	vld [tilespmem:s28+$0x30]  }
0x15f: {  	v2 =	vmax.f32 v2, $0.0e+00;
	v17 =	vmul.f32 v17, v17;
	v22 =	vld [tilespmem:s25+$0x30];
	v31 =	vmul.f32 v33, v31  }
0x160: {  	v10 =	vmul.f32 v19, v10;
	v19 =	vadd.f32 v29, v29;
	v24 =	vmul.f32 v30, v24;
	v33 =	vld [tilespmem:s25+$0x10]  }
0x161: {  	v21 =	vsel vm0, v23, v21;
	v6 =	vmul.f32 v6, v20;
	v29 =	vld [tilespmem:s25+$0xFFFFFFD0];
	v23 =	vadd.f32 $1.000000000e+00, v31  }
0x162: {  	v12 =	vmul.f32 v16, v12;
	v15 =	vmul.f32 v26, v15;
	v7 =	vadd.f32 v28, v7;
	v20 =	vld [tilespmem:s25+$0x0]  }
0x163: {  	v18 =	vadd.f32 v18, v18;
	v21 =	vmul.f32 v21, v21;
	v26 =	vld [tilespmem:s25+$0xFFFFFFE0];
	v19 =	vmul.f32 v23, v19;
	[tilespmem:s23+$0x30] =	vst v6  }
0x164: {  	v10 =	vmul.f32 v10, v13;
	v2 =	vadd.f32 v24, v2;
	v6 =	vld [tilespmem:s25+$0x20];
	v22 =	vadd.f32 v22, v22  }
0x165: {  	v12 =	vsel vm1, v16, v12;
	v13 =	vld [tilespmem:s25+$0xFFFFFFF0];
	v23 =	vadd.f32 v33, v33;
	v16 =	vadd.f32 v19, v9  }
0x166: {  	v12 =	vmul.f32 v12, v12;
	v19 =	vld [tilespmem:s28+$0xFFFFFFC0];
	v24 =	vadd.f32 v29, v29;
	v28 =	vmul.f32 v22, v34  }
0x167: {  	v7 =	vmul.f32 v7, v8;
	v20 =	vadd.f32 v20, v20;
	v29 =	vmul.f32 v23, v38  }
0x168: {  	v2 =	vmul.f32 v2, v5;
	v8 =	vmul.f32 v24, v25;
	v26 =	vadd.f32 v26, v26;
	[tilespmem:s23+$0x0] =	vst v14  }
0x169: {  	v14 =	vadd.f32 $1.000000000e+00, v15;
	v5 =	vmul.f32 v20, v37;
	v6 =	vadd.f32 v6, v6;
	[tilespmem:s23+$0xFFFFFFD0] =	vst v10  }
0x16a: {  	v7 =	vmul.f32 v7, v12;
	v9 =	vsub.f32 v25, v8;
	v25 =	vmul.f32 $2.500000000e-01, v26;
	v30 =	vld [tilespmem:s28+$0xFFFFFFF0]  }
0x16b: {  	v2 =	vmul.f32 v2, v21;
	v8 =	vmul.f32 v26, v32;
	v10 =	vsub.f32 v37, v5  }
0x16c: {  	v1 =	vmul.f32 v16, v1;
	v5 =	vmul.f32 v11, v19;
	v12 =	vand.u32 $0x7FFFFFFF, v9;
	[tilespmem:s23+$0xFFFFFFF0] =	vst v7  }
0x16d: {  	v8 =	vsub.f32 v32, v8;
	v7 =	vand.u32 $0x7FFFFFFF, v10;
	[tilespmem:s23+$0xFFFFFFC0] =	vst v2;
	v2 =	vmul.f32 v14, v18  }
0x16e: {  	v15 =	vsub.f32 v34, v28;
	v1 =	vmul.f32 v1, v27;
	v7 =	vsub.f32 $0.0e+00, v7  }
0x16f: {  	v12 =	vsub.f32 $0.0e+00, v12;
	v14 =	vand.u32 $0x7FFFFFFF, v8;
	v3 =	vadd.f32 v2, v3  }
0x170: {  	v18 =	vand.u32 $0x7FFFFFFF, v15;
	v14 =	vsub.f32 $0.0e+00, v14;
	v7 =	vmul.f32 $1.442695020e+00, v7;
	[tilespmem:s23+$0x10] =	vst v1  }
0x171: {  	v16 =	vsub.f32 v38, v29;
	v2 =	vsub.f32 v19, v5;
	v1 =	vmul.f32 $1.442695020e+00, v12  }
0x172: {  	v12 =	vadd.f32 v13, v13;
	v5 =	vmul.f32 $1.442695020e+00, v14;
	v0 =	vmul.f32 v3, v0  }
0x173: {  	v13 =	vmul.f32 v6, v4;
	v3 =	vand.u32 $0x7FFFFFFF, v16;
	(erf) = vpow2.f32 v7  }
0x174: {  	v14 =	vsub.f32 $0.0e+00, v18;
	v7 =	vmul.f32 v12, v30;
	(erf) = vpow2.f32 v1  }
0x175: {  	v4 =	vsub.f32 v4, v13;
	v1 =	vand.u32 $0x7FFFFFFF, v2;
	(erf) = vpow2.f32 v5  }
0x176: {  	v3 =	vsub.f32 $0.0e+00, v3;
	v1 =	vsub.f32 $0.0e+00, v1;
	v5 =	vmul.f32 $1.442695020e+00, v14  }
0x177: {  	v0 =	vmul.f32 v0, v17;
	v13 =	vand.u32 $0x7FFFFFFF, v4;
	v7 =	vsub.f32 v30, v7  }
0x178: {  	v14 =	vmul.f32 $1.442695020e+00, v1;
	v1 =	vsub.f32 $0.0e+00, v13;
	(erf) = vpow2.f32 v5  }
0x179: {  	v19 =	vmul.f32 $2.500000000e-01, v23;
	v17 =	vmul.f32 $2.500000000e-01, v22;
	v5 =	vand.u32 $0x7FFFFFFF, v7;
	[tilespmem:s23+$0x20] =	vst v0;
	s23 =	smov.u32 s26  }
0x17a: {  	v5 =	vsub.f32 $0.0e+00, v5;
	v18 =	vmul.f32 $1.442695020e+00, v1;
	v0 =	vmul.f32 $2.500000000e-01, v6  }
0x17b: {  	v22 =	vmul.f32 $2.500000000e-01, v24;
	v12 =	vmul.f32 $2.500000000e-01, v12;
	v1 =	vsub.f32 $7.500000000e-01, v19  }
0x17c: {  	v6 =	vsub.f32 $7.500000000e-01, v17;
	v0 =	vsub.f32 $7.500000000e-01, v0;
	(erf) = vpow2.f32 v14;
	v13 =	vpop (erf)  }
0x17d: {  	vm0 =	vgt.f32 v2, $0.0e+00;
	v14 =	vadd.f32 $1.000000000e+00, v13;
	v17 =	vpop (erf);
	(erf) = vpow2.f32 v18  }
0x17e: {  	v3 =	vmul.f32 $1.442695020e+00, v3;
	v19 =	vmax.f32 v9, $0.0e+00;
	v18 =	vadd.f32 $1.000000000e+00, v17;
	v23 =	vpop (erf)  }
0x17f: {  	v21 =	vadd.f32 $1.000000000e+00, v23;
	v26 =	vadd.f32 $1.000000000e+00, v14;
	(erf) = vrcp.f32 v14  }
0x180: {  	v20 =	vmul.f32 $2.500000000e-01, v20;
	v14 =	vadd.f32 $1.000000000e+00, v18;
	(erf) = vrcp.f32 v18  }
0x181: {  	v11 =	vmul.f32 $2.500000000e-01, v11;
	v18 =	vadd.f32 $1.000000000e+00, v21;
	(erf) = vrcp.f32 v26;
	v24 =	vpop (erf)  }
0x182: {  	v25 =	vsub.f32 $7.500000000e-01, v25;
	v26 =	vmul.f32 $1.442695020e+00, v5;
	(erf) = vrcp.f32 v14  }
0x183: {  	v14 =	vsub.f32 $7.500000000e-01, v20;
	v20 =	vadd.f32 $1.000000000e+00, v24;
	(erf) = vrcp.f32 v18  }
0x184: {  	(erf) = vrcp.f32 v21  }
0x185: {  	v5 =	vsub.f32 $7.500000000e-01, v11;
	v18 =	vadd.f32 $1.000000000e+00, v20;
	v21 =	vpop (erf);
	(erf) = vpow2.f32 v3  }
0x186: {  	v3 =	vmax.f32 v4, $0.0e+00;
	v27 =	vadd.f32 $1.000000000e+00, v21;
	(erf) = vpow2.f32 v26;
	v11 =	vpop (erf)  }
0x187: {  	v26 =	vmax.f32 v8, $0.0e+00;
	v28 =	vadd.f32 $1.000000000e+00, v11;
	(erf) = vrcp.f32 v18  }
0x188: {  	v29 =	vmax.f32 v10, $0.0e+00;
	v18 =	vadd.f32 $1.000000000e+00, v27;
	v30 =	vpop (erf);
	(erf) = vrcp.f32 v20  }
0x189: {  	vm1 =	vgt.f32 v9, $0.0e+00;
	v32 =	vmul.f32 v30, v13;
	v20 =	vadd.f32 $1.000000000e+00, v28;
	v31 =	vpop (erf)  }
0x18a: {  	vm2 =	vgt.f32 v10, $0.0e+00;
	v34 =	vmul.f32 v31, v17;
	v33 =	vpop (erf);
	(erf) = vrcp.f32 v28  }
0x18b: {  	v10 =	vsub.f32 $7.500000000e-01, v22;
	v30 =	vsel vm2, v30, v32;
	v22 =	vmul.f32 v33, v13;
	v28 =	vpop (erf)  }
0x18c: {  	v13 =	vsel vm1, v31, v34;
	v17 =	vmul.f32 v28, v17;
	v28 =	vmul.f32 v30, v30;
	v9 =	vpop (erf)  }
0x18d: {  	v30 =	vmul.f32 v9, v23;
	v31 =	vmul.f32 v22, v22;
	v9 =	vmax.f32 v16, $0.0e+00;
	v32 =	vpop (erf)  }
0x18e: {  	vm1 =	vgt.f32 v8, $0.0e+00;
	v8 =	vsub.f32 $7.500000000e-01, v12;
	v33 =	vmul.f32 v17, v17;
	v34 =	vpop (erf)  }
0x18f: {  	v35 =	vmul.f32 v30, v30;
	v36 =	vmul.f32 $2.000000030e-01, v31;
	v37 =	vadd.f32 $1.000000000e+00, v34;
	v12 =	vpop (erf)  }
0x190: {  	v38 =	vadd.f32 v17, v17;
	v43 =	vmul.f32 v32, v23;
	v23 =	vadd.f32 $1.000000000e+00, v12;
	v39 =	vpop (erf)  }
0x191: {  	v40 =	vmul.f32 $2.000000030e-01, v35;
	v36 =	vadd.f32 $3.333333430e-01, v36;
	(erf) = vrcp.f32 v20;
	v20 =	vpop (erf)  }
0x192: {  	v41 =	vmul.f32 $2.000000030e-01, v33;
	v32 =	vsel vm1, v32, v43;
	v42 =	vadd.f32 $1.000000000e+00, v23  }
0x193: {  	v40 =	vadd.f32 $3.333333430e-01, v40;
	v31 =	vmul.f32 v36, v31;
	(erf) = vrcp.f32 v37;
	v17 =	vpop (erf)  }
0x194: {  	v22 =	vadd.f32 v22, v22;
	v36 =	vadd.f32 $3.333333430e-01, v41;
	(erf) = vrcp.f32 v42  }
0x195: {  	v39 =	vmul.f32 v39, v24;
	v35 =	vmul.f32 v40, v35;
	v31 =	vadd.f32 $1.000000000e+00, v31  }
0x196: {  	vm1 =	vgt.f32 v15, $0.0e+00;
	v24 =	vmul.f32 v20, v24;
	(erf) = vrcp.f32 v18  }
0x197: {  	v33 =	vmul.f32 v36, v33;
	v18 =	vadd.f32 $1.000000000e+00, v35;
	v22 =	vmul.f32 v31, v22  }
0x198: {  	v30 =	vadd.f32 v30, v30;
	v31 =	vadd.f32 $1.000000000e+00, v37;
	v35 =	vmul.f32 v39, v39  }
0x199: {  	v29 =	vadd.f32 v22, v29;
	v22 =	vadd.f32 v39, v39;
	(erf) = vrcp.f32 v27  }
0x19a: {  	v20 =	vsel vm1, v20, v24;
	v18 =	vmul.f32 v18, v30;
	(erf) = vrcp.f32 v31;
	v24 =	vpop (erf)  }
0x19b: {  	vm1 =	vgt.f32 v7, $0.0e+00;
	v30 =	vmul.f32 $2.000000030e-01, v35;
	v14 =	vmul.f32 v29, v14  }
0x19c: {  	v26 =	vadd.f32 v18, v26;
	v18 =	vmul.f32 v24, v11;
	(erf) = vrcp.f32 v23;
	v23 =	vpop (erf)  }
0x19d: {  	v24 =	vmul.f32 v32, v32;
	v29 =	vadd.f32 $3.333333430e-01, v30;
	v14 =	vmul.f32 v14, v28;
	v27 =	vpop (erf)  }
0x19e: {  	v26 =	vmul.f32 v26, v25;
	v25 =	vmax.f32 v15, $0.0e+00;
	v28 =	vmul.f32 v27, v12  }
0x19f: {  	v30 =	vmul.f32 v23, v34;
	v15 =	vmul.f32 v18, v18;
	v27 =	vadd.f32 $1.000000000e+00, v33;
	v31 =	vpop (erf)  }
0x1a0: {  	vm2 =	vgt.f32 v16, $0.0e+00;
	v26 =	vmul.f32 v26, v24;
	v32 =	vmul.f32 v31, v21  }
.Ltmp8:
0x1a1: {  	v16 =	vmul.f32 v27, v38;
	v31 =	vmul.f32 v28, v28;
	v27 =	vsel vm2, v23, v30;
	(pc) =	sbr.rel @p2 .LBB2_11-.Ltmp8, $4  }
0x1a2: {  	v30 =	vmul.f32 v32, v32;
	v24 =	vadd.f32 v32, v32;
	[tilespmem:s26+$0xFFFFFFE0] =	vst v26;
	v26 =	vmul.f32 $2.000000030e-01, v15;
	v23 =	vpop (erf)  }
0x1a3: {  	v19 =	vadd.f32 v16, v19;
	v36 =	vmul.f32 $2.000000030e-01, v31;
	v32 =	vmul.f32 v29, v35;
	v29 =	vpop (erf)  }
0x1a4: {  	v33 =	vmul.f32 $2.000000030e-01, v30;
	v29 =	vmul.f32 v29, v34;
	v26 =	vadd.f32 $3.333333430e-01, v26  }
0x1a5: {  	s25 =	sadd.s32 $0x400, s25;
	v21 =	vmul.f32 v23, v21;
	v34 =	vadd.f32 $3.333333430e-01, v36;
	v32 =	vadd.f32 $1.000000000e+00, v32;
	v16 =	vpop (erf)  }
0x1a6: {  	v33 =	vadd.f32 $3.333333430e-01, v33;
	v53 =	vmul.f32 v29, v29;
	v7 =	vmax.f32 v7, $0.0e+00  }
0x1a7: {  	v11 =	vmul.f32 v17, v11;
	vm2 =	vgt.f32 v4, $0.0e+00;
	v13 =	vmul.f32 v13, v13  }
0x1a8: {  	v28 =	vadd.f32 v28, v28;
	v20 =	vmul.f32 v20, v20;
	v27 =	vmul.f32 v27, v27  }
0x1a9: {  	v2 =	vmax.f32 v2, $0.0e+00;
	v10 =	vmul.f32 v19, v10;
	v15 =	vmul.f32 v26, v15  }
0x1aa: {  	v59 =	vadd.f32 v29, v29;
	v12 =	vmul.f32 v16, v12;
	v55 =	vmul.f32 $2.000000030e-01, v53  }
0x1ab: {  	v18 =	vadd.f32 v18, v18;
	v31 =	vmul.f32 v34, v31;
	v54 =	vmul.f32 v32, v22  }
0x1ac: {  	v21 =	vsel vm0, v23, v21;
	v30 =	vmul.f32 v33, v30;
	v22 =	vadd.f32 $3.333333430e-01, v55  }
0x1ad: {  	v11 =	vsel vm2, v17, v11;
	v15 =	vadd.f32 $1.000000000e+00, v15;
	v60 =	vmul.f32 v21, v21  }
0x1ae: {  	v31 =	vadd.f32 $1.000000000e+00, v31;
	v4 =	vadd.f32 v54, v25;
	v57 =	vmul.f32 v22, v53  }
0x1af: {  	v12 =	vsel vm1, v16, v12;
	v56 =	vadd.f32 $1.000000000e+00, v30;
	v15 =	vmul.f32 v15, v18  }
0x1b0: {  	v28 =	vmul.f32 v31, v28;
	v4 =	vmul.f32 v4, v6;
	v6 =	vadd.f32 $1.000000000e+00, v57  }
0x1b1: {  	v62 =	vmul.f32 v10, v13;
	v58 =	vmul.f32 v56, v24;
	v3 =	vadd.f32 v15, v3  }
0x1b2: {  	v11 =	vmul.f32 v11, v11;
	v7 =	vadd.f32 v28, v7;
	v6 =	vmul.f32 v6, v59  }
0x1b3: {  	v61 =	vmul.f32 v12, v12;
	v2 =	vadd.f32 v58, v2;
	v0 =	vmul.f32 v3, v0  }
0x1b4: {  	[tilespmem:s23+$0x0] =	vst v14;
	s19 =	sadd.s32 $0x1, s19;
	v4 =	vmul.f32 v4, v20;
	v7 =	vmul.f32 v7, v8;
	v6 =	vadd.f32 v6, v9  }
0x1b5: {  	p2 =	sne.s32 s19, $0x8;
	[tilespmem:s23+$0xFFFFFFD0] =	vst v62;
	v2 =	vmul.f32 v2, v5;
	v0 =	vmul.f32 v0, v11  }
.Ltmp9:
0x1b6: {  	[tilespmem:s23+$0x30] =	vst v4;
	v63 =	vmul.f32 v7, v61;
	v1 =	vmul.f32 v6, v1;
	(pc) =	sbr.rel @p2 .LBB2_10-.Ltmp9, $4  }
0x1b7: {  	v2 =	vmul.f32 v2, v60;
	[tilespmem:s23+$0x20] =	vst v0  }
0x1b8: {  	[tilespmem:s23+$0xFFFFFFF0] =	vst v63;
	v1 =	vmul.f32 v1, v27  }
0x1b9: {  	[tilespmem:s23+$0xFFFFFFC0] =	vst v2  }
0x1ba: {  	s20 =	sadd.s32 $0x80, s20;
	s21 =	sadd.s32 $0x80, s21;
	s22 =	sadd.s32 $0x80, s22;
	[tilespmem:s23+$0x10] =	vst v1  }
0x1bb: {  	s17 =	smul.u32 $0xC3400, s17  }
0x1bc: {  	s18 =	smul.u32 $0x2C00, s18  }
.Ltmp10:
0x1bd: {  	_ = 	snop;
	(pc) =	sbr.rel .LBB2_14-.Ltmp10, $4  }
0x1be: {  	s17 =	sadd.s32 s18, s17  }
0x1bf: {  	s17 =	sshrl.u32 s17, $0x3  }
0x1c0: {  	s17 =	sadd.s32 s6, s17  }
0x1c1: {  	[hbm4b:s17+s5] =	stream.linear.scatter [tilespmem:s14], [sflag:$0x4], $0x2C00, $0x38;
	[tilespmem:$0x10800] =	vst v63  }
.LBB2_16:
0x1c2: {  	_ =	sfence.sel $0x180000  }
0x1c3: {  	[bflag:$0x0] =	sbarrier.arrive $0xFFFF  }
0x1c4: {  	p0 =	sne.s32 s0, $0x0;
	_ =	strace $0x90000047  }
0x1c5: {  	s0 =	sadd.s32 @!p0 $0x100000, s3;
	[bflag:$0x2] =	sbarrier.arrive $0xFFFF  }
0x1c6: {  	[sflag:s0] =	ssyncadd.tile.s32 @!p0 $0x1;
	_ =	shalt  }
.Lfunc_end2:
_tile_overlayer_lowered:
.L_overlay_start_2:
0x1c7: {  	(tag) =	ssettag $0x2  }
0x1c8: {  	s0 =	rddreg [dreg:$0x0];
	s2 =	stileid.u32  }
0x1c9: {  	s1 =	rddreg [dreg:$0x1];
	p0 =	sne.s32 s2, $0x0  }
0x1ca: {  	s3 =	rddreg [dreg:$0x2];
	[bflag:$0x3] =	sbarrier.arrive $0xFFFF;
	s2 =	simm.s32 @!p0 $0x1C05  }
0x1cb: {  	[timem:s3], [sflag:s2] =	dma.local @!p0 [hbm:s0], s1  }
0x1cc: {  	s0 =	simm.s32 @!p0 $0x5  }
0x1cd: {  	_ =	swait.ge @!p0 [sflag:s0], s1  }
0x1ce: {  	s1 =	ssub.s32 @!p0 $0x0, s1;
	[sflag:s0] =	ssyncset.done @!p0 $0x0  }
0x1cf: {  	[sflag:s0] =	ssyncadd.s32 @!p0 s1  }
0x1d0: {  	[bflag:$0x3] =	sbarrier.arrive $0xFFFF  }
0x1d1: {  	_ =	shalt  }

</sc_bundles>
